<compile_context>
chip_gen: v7x
topology: tpu7x:2x2x1
jax: 0.10.2.dev20260603
libtpu: 0.0.44.dev20260713+nightly
codegen_flags: <defaults>
</compile_context>

<pallas_src>
import functools

import jax
import jax.numpy as jnp
import numpy as np
from jax import lax
from jax.experimental import pallas as pl
from jax.experimental.pallas import tpu as pltpu
from jax.experimental.pallas import tpu_sc as plsc

OUT_SZ = 5
G = OUT_SZ ** 3
GP = 128
R = 4
NW = 32
RPW = 4


def _base_grid_t():
    b = np.arange(0, 1, 1.0 / OUT_SZ) - (OUT_SZ - 1) / (2.0 * OUT_SZ)
    gx = np.tile(b.reshape(-1, 1, 1), (1, OUT_SZ, OUT_SZ))
    gy = np.tile(b.reshape(1, -1, 1), (OUT_SZ, 1, OUT_SZ))
    gz = np.tile(b.reshape(1, 1, -1), (OUT_SZ, OUT_SZ, 1))
    g = np.stack([gx, gy, gz], axis=-1).reshape(-1, 3).T
    g = np.concatenate([g, np.tile(g[:, -1:], (1, GP - G))], axis=1)
    return jnp.asarray(g, dtype=jnp.float32)


def _nn_kernel(bg_ref, rois_ref, pts_ref, idx_ref, wts_ref, *, S):
    bg = bg_ref[...]
    pts = pts_ref[0]
    normp = jnp.sum(pts * pts, axis=1, keepdims=True)
    sidx = lax.broadcasted_iota(jnp.int32, (S, GP), 0)
    boff = pl.program_id(0) * S
    for r in range(R):
        row = rois_ref[0, r]
        ctr_z = row[0:1, 2:3] + 0.5 * row[0:1, 5:6]
        qx = bg[0:1, :] * row[0:1, 3:4] + row[0:1, 0:1]
        qy = bg[1:2, :] * row[0:1, 4:5] + row[0:1, 1:2]
        qz = bg[2:3, :] * row[0:1, 5:6] + ctr_z
        q = jnp.concatenate([qx, qy, qz], axis=0)
        cross = jnp.dot(pts, q, preferred_element_type=jnp.float32)
        normq = jnp.sum(q * q, axis=0, keepdims=True)
        d2 = normq - 2.0 * cross + normp
        dwork = d2
        recips, idxs = [], []
        for k in range(3):
            m = jnp.min(dwork, axis=0, keepdims=True)
            eq = dwork == m
            ik = jnp.min(jnp.where(eq, sidx, S), axis=0, keepdims=True)
            recips.append(1.0 / (jnp.sqrt(jnp.maximum(m, 0.0)) + 1e-8))
            idxs.append(ik)
            if k < 2:
                dwork = jnp.where(sidx == ik, jnp.inf, dwork)
        norm = recips[0] + recips[1] + recips[2]
        idx_ref[0, r] = jnp.concatenate(idxs, axis=0) + boff
        wts_ref[0, r] = jnp.concatenate(
            [recips[0] / norm, recips[1] / norm, recips[2] / norm], axis=0)


def _sc_gather_kernel(idx_hbm, table_hbm, out_hbm, idx_v, rows_v, sem):
    wid = lax.axis_index("s") * 2 + lax.axis_index("c")
    for r in range(RPW):
        roi = wid * RPW + r
        pltpu.sync_copy(idx_hbm.at[roi], idx_v)
        cps = [pltpu.async_copy(table_hbm.at[idx_v.at[k]], rows_v.at[k], sem)
               for k in range(3)]
        for cp in cps:
            cp.wait()
        pltpu.sync_copy(rows_v, out_hbm.at[roi])


def _mlp_kernel(i_ref, w_ref, wt_ref, h_ref, sum_ref, sq_ref):
    rows = i_ref[0]
    w = w_ref[0]
    it = (w[:, 0:1] * rows[0] + w[:, 1:2] * rows[1]
          + w[:, 2:3] * rows[2])
    qmask = lax.broadcasted_iota(jnp.int32, (GP, 1), 0) < G
    it = jnp.where(qmask, it, 0.0)
    h_q = jnp.dot(it, wt_ref[...], preferred_element_type=jnp.float32)
    h_ref[0] = jnp.transpose(h_q)[:, 0:G]
    sum_ref[0] = jnp.sum(h_q, axis=0, keepdims=True)
    sq_ref[0] = jnp.sum(h_q * h_q, axis=0, keepdims=True)


def _bn_kernel(h_ref, sum_ref, sq_ref, g_ref, b_ref, o_ref, *, count):
    mean = sum_ref[...] / count
    var = sq_ref[...] / count - mean * mean
    scale = g_ref[...] * lax.rsqrt(var + 1e-5)
    shift = b_ref[...] - mean * scale
    o_ref[0] = jnp.maximum(h_ref[0] * scale + shift, 0.0)


def kernel(pts, pts_feature, rois, W, gamma, beta):
    B, S, _ = pts.shape
    C = pts_feature.shape[1]
    N = rois.shape[1]
    NT = N // R
    BN = B * N
    rois4 = rois.reshape(B, N, 1, 7)
    bg = _base_grid_t()

    idx4, wts4 = pl.pallas_call(
        functools.partial(_nn_kernel, S=S),
        grid=(B, NT),
        in_specs=[
            pl.BlockSpec((3, GP), lambda b, n: (0, 0)),
            pl.BlockSpec((1, R, 1, 7), lambda b, n: (b, n, 0, 0)),
            pl.BlockSpec((1, S, 3), lambda b, n: (b, 0, 0)),
        ],
        out_specs=[
            pl.BlockSpec((1, R, 3, GP), lambda b, n: (b, n, 0, 0)),
            pl.BlockSpec((1, R, 3, GP), lambda b, n: (b, n, 0, 0)),
        ],
        out_shape=[
            jax.ShapeDtypeStruct((B, N, 3, GP), jnp.int32),
            jax.ShapeDtypeStruct((B, N, 3, GP), jnp.float32),
        ],
    )(bg, rois4, pts)

    feats_flat = pts_feature.transpose(0, 2, 1).reshape(B * S, C)
    idx_flat = idx4.reshape(BN, 3, GP)
    wq = wts4.reshape(BN, 3, GP).transpose(0, 2, 1)

    sc_gather = pl.kernel(
        _sc_gather_kernel,
        mesh=plsc.VectorSubcoreMesh(core_axis_name="c", subcore_axis_name="s"),
        out_type=jax.ShapeDtypeStruct((BN, 3, GP, C), jnp.float32),
        scratch_types=[
            pltpu.VMEM((3, GP), jnp.int32),
            pltpu.VMEM((3, GP, C), jnp.float32),
            pltpu.SemaphoreType.DMA,
        ],
    )
    rows3 = sc_gather(idx_flat, feats_flat)

    h4, psum, psq = pl.pallas_call(
        _mlp_kernel,
        grid=(BN,),
        in_specs=[
            pl.BlockSpec((1, 3, GP, C), lambda i: (i, 0, 0, 0)),
            pl.BlockSpec((1, GP, 3), lambda i: (i, 0, 0)),
            pl.BlockSpec((C, C), lambda i: (0, 0)),
        ],
        out_specs=[
            pl.BlockSpec((1, C, G), lambda i: (i, 0, 0)),
            pl.BlockSpec((1, 1, C), lambda i: (i, 0, 0)),
            pl.BlockSpec((1, 1, C), lambda i: (i, 0, 0)),
        ],
        out_shape=[
            jax.ShapeDtypeStruct((BN, C, G), jnp.float32),
            jax.ShapeDtypeStruct((BN, 1, C), jnp.float32),
            jax.ShapeDtypeStruct((BN, 1, C), jnp.float32),
        ],
    )(rows3, wq, W.T)

    ssum = jnp.sum(psum, axis=0).reshape(C, 1)
    ssq = jnp.sum(psq, axis=0).reshape(C, 1)

    out = pl.pallas_call(
        functools.partial(_bn_kernel, count=float(B * N * G)),
        grid=(BN,),
        in_specs=[
            pl.BlockSpec((1, C, G), lambda i: (i, 0, 0)),
            pl.BlockSpec((C, 1), lambda i: (0, 0)),
            pl.BlockSpec((C, 1), lambda i: (0, 0)),
            pl.BlockSpec((C, 1), lambda i: (0, 0)),
            pl.BlockSpec((C, 1), lambda i: (0, 0)),
        ],
        out_specs=pl.BlockSpec((1, C, G), lambda i: (i, 0, 0)),
        out_shape=jax.ShapeDtypeStruct((BN, C, G), jnp.float32),
    )(h4, ssum, ssq, gamma.reshape(C, 1), beta.reshape(C, 1))
    return out

# --- scband reference (transcript-rebuilt; emitter-appended) ---
"""Pipeline reference for scband-ro-ifppool3d-46084999086897 (READ-ONLY COPY).

The authoritative reference and input builder live on the scoring server;
editing this copy changes nothing except your own understanding.
"""

import jax, jax.numpy as jnp
import numpy as np

OUT_SIZE = 5


def get_grid(out_size):
    b = np.arange(0, 1, 1.0 / out_size) - (out_size - 1) / (2.0 * out_size)
    gx = np.tile(b.reshape(-1, 1, 1), (1, out_size, out_size))
    gy = np.tile(b.reshape(1, -1, 1), (out_size, 1, out_size))
    gz = np.tile(b.reshape(1, 1, -1), (out_size, out_size, 1))
    g = np.stack([gx, gy, gz], axis=-1).reshape(-1, 3)
    return jnp.asarray(g, dtype=jnp.float32)


def setup_inputs(seed: int = 0):
    key = jax.random.key(seed)
    k1, k2, k3, k4 = jax.random.split(key, 4)
    B, npoints, C, roi_num = 2, 4096, 128, 64
    pts = jax.random.normal(k1, (B, npoints, 3), dtype=jnp.float32)
    pts_feature = jax.random.normal(k2, (B, C, npoints), dtype=jnp.float32)
    rois = jax.random.uniform(k3, (B, roi_num, 7), dtype=jnp.float32)
    # learned params of PointFPModule MLP: one ConvModule(128 -> 128, 1x1, BN2d, ReLU)
    W = jax.random.normal(k4, (C, C), dtype=jnp.float32) * (1.0 / np.sqrt(C))
    gamma = jnp.ones((C,), dtype=jnp.float32)
    beta = jnp.zeros((C,), dtype=jnp.float32)
    return {"pts": pts, "pts_feature": pts_feature, "rois": rois, "W": W, "gamma": gamma, "beta": beta}


def reference(pts, pts_feature, rois, W, gamma, beta):
    B, roi_num = rois.shape[0], rois.shape[1]
    C = pts_feature.shape[1]
    # rois[..., 2] += rois[..., 5] / 2 (bottom center -> geometric center)
    rois = rois.at[..., 2].add(rois[..., 5] / 2.0)
    base_grid = get_grid(OUT_SIZE)  # [G, 3], G = out_size**3
    flat = rois.reshape(-1, 7)  # [B*N, 7]
    grid = base_grid[None, :, :] * flat[:, None, 3:6] + flat[:, None, 0:3]  # [B*N, G, 3]
    grid_rois = grid.reshape(B, -1, 3)  # [B, T, 3], T = N*G
    # --- PointFPModule: three_nn (mmcv returns sqrt of squared dists) ---
    d2 = (jnp.sum(grid_rois ** 2, axis=-1, keepdims=True)
          - 2.0 * jnp.einsum('btd,bsd->bts', grid_rois, pts)
          + jnp.sum(pts ** 2, axis=-1)[:, None, :])  # [B, T, S]
    neg_top, idx = jax.lax.top_k(-d2, 3)  # [B, T, 3]
    dist = jnp.sqrt(jnp.maximum(-neg_top, 0.0))
    # --- three_interpolate: inverse-distance weighted gather ---
    dist_recip = 1.0 / (dist + 1e-8)
    norm = jnp.sum(dist_recip, axis=2, keepdims=True)
    weight = dist_recip / norm  # [B, T, 3]
    feats_t = jnp.transpose(pts_feature, (0, 2, 1))  # [B, S, C]
    gathered = jax.vmap(lambda f, i: f[i])(feats_t, idx)  # [B, T, 3, C]
    interp = jnp.sum(weight[..., None] * gathered, axis=2)  # [B, T, C]
    new_features = jnp.transpose(interp, (0, 2, 1))  # [B, C, T]
    # --- MLP: Conv2d(1x1, no bias) + BN2d (batch stats) + ReLU ---
    h = jnp.einsum('oc,bct->bot', W, new_features)
    mean = jnp.mean(h, axis=(0, 2), keepdims=True)
    var = jnp.var(h, axis=(0, 2), keepdims=True)
    h = (h - mean) / jnp.sqrt(var + 1e-5) * gamma[None, :, None] + beta[None, :, None]
    h = jax.nn.relu(h)  # [B, C, T]
    # transpose(1,2).view(B*N, G, C).transpose(1,2)
    out = jnp.transpose(h, (0, 2, 1)).reshape(B * roi_num, -1, C)
    out = jnp.transpose(out, (0, 2, 1))  # [B*N, C, G]
    return out

if __name__ == "__main__":
    import jax
    _d = setup_inputs()
    print(jax.jit(kernel)(*tuple(_d.values())))

</pallas_src>

<mosaic_0001>
#map = affine_map<(d0, d1) -> (0, 0, 0)>
#map1 = affine_map<(d0, d1) -> (0, 0)>
#map2 = affine_map<(d0, d1) -> (0, 0, 0, 0)>
module attributes {stable_mosaic.version = 14 : i64} {
  func.func @_sc_gather_kernel(%arg0: i32, %arg1: i32, %arg2: memref<128x3x128xi32, #tpu.memory_space<hbm>>, %arg3: memref<8192x128xf32, #tpu.memory_space<hbm>>, %arg4: memref<128x3x128x128xf32, #tpu.memory_space<hbm>>, %arg5: memref<3x128xi32, #tpu.memory_space<vmem>>, %arg6: memref<3x128x128xf32, #tpu.memory_space<vmem>>, %arg7: memref<!tpu.dma_semaphore, #tpu.memory_space<semaphore_mem>>) attributes {dimension_semantics = [#tpu.dimension_semantics<core_parallel>, #tpu.dimension_semantics<subcore_parallel>], iteration_bounds = array<i64: 2, 16>, scalar_prefetch = 0 : i64, scratch_operands = 3 : i64, tpu.core_type = #tpu.core_type<sc_vector_subcore>, window_params = [{transform_indices = #map}, {transform_indices = #map1}, {transform_indices = #map2}]} {
    %mul3A = arith.constant 2 : i32
    %mul3A_0 = arith.muli %arg1, %mul3A : i32
    %add3A = arith.addi %mul3A_0, %arg0 : i32
    %mul3A_1 = arith.constant 4 : i32
    %mul3A_2 = arith.muli %add3A, %mul3A_1 : i32
    %add3A_3 = arith.constant 0 : i32
    %add3A_4 = arith.addi %mul3A_2, %add3A_3 : i32
    "tpu.region"() ({
      %run_scoped3A = tpu.sem_alloc : memref<!tpu.dma_semaphore, #tpu.memory_space<semaphore_mem>>
      %dma_start3A_303 = arith.constant 0 : i32
      %dma_start3A_304 = arith.constant 0 : i32
      %dma_start3A_305 = tpu.memref_slice %arg2[%add3A_4, %dma_start3A_303, %dma_start3A_304] : memref<128x3x128xi32, #tpu.memory_space<hbm>> -> memref<1x3x128xi32, #tpu.memory_space<hbm>>
      %dma_start3A_306 = tpu.memref_squeeze %dma_start3A_305 : memref<1x3x128xi32, #tpu.memory_space<hbm>> -> memref<3x128xi32, #tpu.memory_space<hbm>>
      %dma_start3A_307 = arith.constant 0 : i32
      %dma_start3A_308 = arith.constant 0 : i32
      %dma_start3A_309 = tpu.memref_slice %arg2[%add3A_4, %dma_start3A_307, %dma_start3A_308] : memref<128x3x128xi32, #tpu.memory_space<hbm>> -> memref<1x3x128xi32, #tpu.memory_space<hbm>>
      %dma_start3A_310 = tpu.memref_squeeze %dma_start3A_309 : memref<1x3x128xi32, #tpu.memory_space<hbm>> -> memref<3x128xi32, #tpu.memory_space<hbm>>
      tpu.enqueue_dma source(%dma_start3A_310 : memref<3x128xi32, #tpu.memory_space<hbm>>) target(%arg5 : memref<3x128xi32, #tpu.memory_space<vmem>>) target_semaphore(%run_scoped3A : memref<!tpu.dma_semaphore, #tpu.memory_space<semaphore_mem>>)
      %dma_wait3A_311 = arith.constant 0 : i32
      %dma_wait3A_312 = arith.constant 0 : i32
      %dma_wait3A_313 = tpu.memref_slice %arg2[%add3A_4, %dma_wait3A_311, %dma_wait3A_312] : memref<128x3x128xi32, #tpu.memory_space<hbm>> -> memref<1x3x128xi32, #tpu.memory_space<hbm>>
      %dma_wait3A_314 = tpu.memref_squeeze %dma_wait3A_313 : memref<1x3x128xi32, #tpu.memory_space<hbm>> -> memref<3x128xi32, #tpu.memory_space<hbm>>
      %dma_wait3A_315 = arith.constant 0 : i32
      %dma_wait3A_316 = arith.constant 0 : i32
      %dma_wait3A_317 = tpu.memref_slice %arg2[%add3A_4, %dma_wait3A_315, %dma_wait3A_316] : memref<128x3x128xi32, #tpu.memory_space<hbm>> -> memref<1x3x128xi32, #tpu.memory_space<hbm>>
      %dma_wait3A_318 = tpu.memref_squeeze %dma_wait3A_317 : memref<1x3x128xi32, #tpu.memory_space<hbm>> -> memref<3x128xi32, #tpu.memory_space<hbm>>
      tpu.wait_dma2 semaphore(%run_scoped3A : memref<!tpu.dma_semaphore, #tpu.memory_space<semaphore_mem>>) src(%dma_wait3A_318 : memref<3x128xi32, #tpu.memory_space<hbm>>) dst(%arg5 : memref<3x128xi32, #tpu.memory_space<vmem>>)
      tpu.yield
    }) : () -> ()
    %dma_start3A = arith.constant 0 : i32
    %dma_start3A_5 = arith.constant 0 : i32
    %dma_start3A_6 = arith.constant 0 : i32
    %dma_start3A_7 = arith.constant 0 : i32
    %dma_start3A_8 = tpu.memref_slice %arg6[%dma_start3A_5, %dma_start3A_6, %dma_start3A_7] : memref<3x128x128xf32, #tpu.memory_space<vmem>> -> memref<1x128x128xf32, #tpu.memory_space<vmem>>
    %dma_start3A_9 = tpu.memref_squeeze %dma_start3A_8 : memref<1x128x128xf32, #tpu.memory_space<vmem>> -> memref<128x128xf32, #tpu.memory_space<vmem>>
    %dma_start3A_10 = arith.constant 0 : i32
    %dma_start3A_11 = tpu.memref_slice %arg5[%dma_start3A, %dma_start3A_10] : memref<3x128xi32, #tpu.memory_space<vmem>> -> memref<1x128xi32, #tpu.memory_space<vmem>>
    %dma_start3A_12 = tpu.memref_squeeze %dma_start3A_11 : memref<1x128xi32, #tpu.memory_space<vmem>> -> memref<128xi32, #tpu.memory_space<vmem>>
    %dma_start3A_13 = arith.constant 0 : i32
    %dma_start3A_14 = arith.constant 0 : i32
    %dma_start3A_15 = tpu.memref_slice %arg3[%dma_start3A_13, %dma_start3A_14] : memref<8192x128xf32, #tpu.memory_space<hbm>> -> memref<8192x128xf32, #tpu.memory_space<hbm>>
    tpu.enqueue_indirect_dma source(%dma_start3A_15 : memref<8192x128xf32, #tpu.memory_space<hbm>>) target(%dma_start3A_9 : memref<128x128xf32, #tpu.memory_space<vmem>>) offsets(%dma_start3A_12 : memref<128xi32, #tpu.memory_space<vmem>>) semaphore(%arg7 : memref<!tpu.dma_semaphore, #tpu.memory_space<semaphore_mem>>)
    %dma_start3A_16 = arith.constant 1 : i32
    %dma_start3A_17 = arith.constant 1 : i32
    %dma_start3A_18 = arith.constant 0 : i32
    %dma_start3A_19 = arith.constant 0 : i32
    %dma_start3A_20 = tpu.memref_slice %arg6[%dma_start3A_17, %dma_start3A_18, %dma_start3A_19] : memref<3x128x128xf32, #tpu.memory_space<vmem>> -> memref<1x128x128xf32, #tpu.memory_space<vmem>>
    %dma_start3A_21 = tpu.memref_squeeze %dma_start3A_20 : memref<1x128x128xf32, #tpu.memory_space<vmem>> -> memref<128x128xf32, #tpu.memory_space<vmem>>
    %dma_start3A_22 = arith.constant 0 : i32
    %dma_start3A_23 = tpu.memref_slice %arg5[%dma_start3A_16, %dma_start3A_22] : memref<3x128xi32, #tpu.memory_space<vmem>> -> memref<1x128xi32, #tpu.memory_space<vmem>>
    %dma_start3A_24 = tpu.memref_squeeze %dma_start3A_23 : memref<1x128xi32, #tpu.memory_space<vmem>> -> memref<128xi32, #tpu.memory_space<vmem>>
    %dma_start3A_25 = arith.constant 0 : i32
    %dma_start3A_26 = arith.constant 0 : i32
    %dma_start3A_27 = tpu.memref_slice %arg3[%dma_start3A_25, %dma_start3A_26] : memref<8192x128xf32, #tpu.memory_space<hbm>> -> memref<8192x128xf32, #tpu.memory_space<hbm>>
    tpu.enqueue_indirect_dma source(%dma_start3A_27 : memref<8192x128xf32, #tpu.memory_space<hbm>>) target(%dma_start3A_21 : memref<128x128xf32, #tpu.memory_space<vmem>>) offsets(%dma_start3A_24 : memref<128xi32, #tpu.memory_space<vmem>>) semaphore(%arg7 : memref<!tpu.dma_semaphore, #tpu.memory_space<semaphore_mem>>)
    %dma_start3A_28 = arith.constant 2 : i32
    %dma_start3A_29 = arith.constant 2 : i32
    %dma_start3A_30 = arith.constant 0 : i32
    %dma_start3A_31 = arith.constant 0 : i32
    %dma_start3A_32 = tpu.memref_slice %arg6[%dma_start3A_29, %dma_start3A_30, %dma_start3A_31] : memref<3x128x128xf32, #tpu.memory_space<vmem>> -> memref<1x128x128xf32, #tpu.memory_space<vmem>>
    %dma_start3A_33 = tpu.memref_squeeze %dma_start3A_32 : memref<1x128x128xf32, #tpu.memory_space<vmem>> -> memref<128x128xf32, #tpu.memory_space<vmem>>
    %dma_start3A_34 = arith.constant 0 : i32
    %dma_start3A_35 = tpu.memref_slice %arg5[%dma_start3A_28, %dma_start3A_34] : memref<3x128xi32, #tpu.memory_space<vmem>> -> memref<1x128xi32, #tpu.memory_space<vmem>>
    %dma_start3A_36 = tpu.memref_squeeze %dma_start3A_35 : memref<1x128xi32, #tpu.memory_space<vmem>> -> memref<128xi32, #tpu.memory_space<vmem>>
    %dma_start3A_37 = arith.constant 0 : i32
    %dma_start3A_38 = arith.constant 0 : i32
    %dma_start3A_39 = tpu.memref_slice %arg3[%dma_start3A_37, %dma_start3A_38] : memref<8192x128xf32, #tpu.memory_space<hbm>> -> memref<8192x128xf32, #tpu.memory_space<hbm>>
    tpu.enqueue_indirect_dma source(%dma_start3A_39 : memref<8192x128xf32, #tpu.memory_space<hbm>>) target(%dma_start3A_33 : memref<128x128xf32, #tpu.memory_space<vmem>>) offsets(%dma_start3A_36 : memref<128xi32, #tpu.memory_space<vmem>>) semaphore(%arg7 : memref<!tpu.dma_semaphore, #tpu.memory_space<semaphore_mem>>)
    %dma_wait3A = arith.constant 0 : i32
    %dma_wait3A_40 = arith.constant 0 : i32
    %dma_wait3A_41 = arith.constant 0 : i32
    %dma_wait3A_42 = arith.constant 0 : i32
    %dma_wait3A_43 = tpu.memref_slice %arg6[%dma_wait3A_40, %dma_wait3A_41, %dma_wait3A_42] : memref<3x128x128xf32, #tpu.memory_space<vmem>> -> memref<1x128x128xf32, #tpu.memory_space<vmem>>
    %dma_wait3A_44 = tpu.memref_squeeze %dma_wait3A_43 : memref<1x128x128xf32, #tpu.memory_space<vmem>> -> memref<128x128xf32, #tpu.memory_space<vmem>>
    %dma_wait3A_45 = arith.constant 0 : i32
    %dma_wait3A_46 = tpu.memref_slice %arg5[%dma_wait3A, %dma_wait3A_45] : memref<3x128xi32, #tpu.memory_space<vmem>> -> memref<1x128xi32, #tpu.memory_space<vmem>>
    %dma_wait3A_47 = tpu.memref_squeeze %dma_wait3A_46 : memref<1x128xi32, #tpu.memory_space<vmem>> -> memref<128xi32, #tpu.memory_space<vmem>>
    %dma_wait3A_48 = arith.constant 0 : i32
    %dma_wait3A_49 = arith.constant 0 : i32
    %dma_wait3A_50 = tpu.memref_slice %arg3[%dma_wait3A_48, %dma_wait3A_49] : memref<8192x128xf32, #tpu.memory_space<hbm>> -> memref<8192x128xf32, #tpu.memory_space<hbm>>
    tpu.wait_indirect_dma semaphore(%arg7 : memref<!tpu.dma_semaphore, #tpu.memory_space<semaphore_mem>>) src(%dma_wait3A_50 : memref<8192x128xf32, #tpu.memory_space<hbm>>) dst(%dma_wait3A_44 : memref<128x128xf32, #tpu.memory_space<vmem>>)
    %dma_wait3A_51 = arith.constant 1 : i32
    %dma_wait3A_52 = arith.constant 1 : i32
    %dma_wait3A_53 = arith.constant 0 : i32
    %dma_wait3A_54 = arith.constant 0 : i32
    %dma_wait3A_55 = tpu.memref_slice %arg6[%dma_wait3A_52, %dma_wait3A_53, %dma_wait3A_54] : memref<3x128x128xf32, #tpu.memory_space<vmem>> -> memref<1x128x128xf32, #tpu.memory_space<vmem>>
    %dma_wait3A_56 = tpu.memref_squeeze %dma_wait3A_55 : memref<1x128x128xf32, #tpu.memory_space<vmem>> -> memref<128x128xf32, #tpu.memory_space<vmem>>
    %dma_wait3A_57 = arith.constant 0 : i32
    %dma_wait3A_58 = tpu.memref_slice %arg5[%dma_wait3A_51, %dma_wait3A_57] : memref<3x128xi32, #tpu.memory_space<vmem>> -> memref<1x128xi32, #tpu.memory_space<vmem>>
    %dma_wait3A_59 = tpu.memref_squeeze %dma_wait3A_58 : memref<1x128xi32, #tpu.memory_space<vmem>> -> memref<128xi32, #tpu.memory_space<vmem>>
    %dma_wait3A_60 = arith.constant 0 : i32
    %dma_wait3A_61 = arith.constant 0 : i32
    %dma_wait3A_62 = tpu.memref_slice %arg3[%dma_wait3A_60, %dma_wait3A_61] : memref<8192x128xf32, #tpu.memory_space<hbm>> -> memref<8192x128xf32, #tpu.memory_space<hbm>>
    tpu.wait_indirect_dma semaphore(%arg7 : memref<!tpu.dma_semaphore, #tpu.memory_space<semaphore_mem>>) src(%dma_wait3A_62 : memref<8192x128xf32, #tpu.memory_space<hbm>>) dst(%dma_wait3A_56 : memref<128x128xf32, #tpu.memory_space<vmem>>)
    %dma_wait3A_63 = arith.constant 2 : i32
    %dma_wait3A_64 = arith.constant 2 : i32
    %dma_wait3A_65 = arith.constant 0 : i32
    %dma_wait3A_66 = arith.constant 0 : i32
    %dma_wait3A_67 = tpu.memref_slice %arg6[%dma_wait3A_64, %dma_wait3A_65, %dma_wait3A_66] : memref<3x128x128xf32, #tpu.memory_space<vmem>> -> memref<1x128x128xf32, #tpu.memory_space<vmem>>
    %dma_wait3A_68 = tpu.memref_squeeze %dma_wait3A_67 : memref<1x128x128xf32, #tpu.memory_space<vmem>> -> memref<128x128xf32, #tpu.memory_space<vmem>>
    %dma_wait3A_69 = arith.constant 0 : i32
    %dma_wait3A_70 = tpu.memref_slice %arg5[%dma_wait3A_63, %dma_wait3A_69] : memref<3x128xi32, #tpu.memory_space<vmem>> -> memref<1x128xi32, #tpu.memory_space<vmem>>
    %dma_wait3A_71 = tpu.memref_squeeze %dma_wait3A_70 : memref<1x128xi32, #tpu.memory_space<vmem>> -> memref<128xi32, #tpu.memory_space<vmem>>
    %dma_wait3A_72 = arith.constant 0 : i32
    %dma_wait3A_73 = arith.constant 0 : i32
    %dma_wait3A_74 = tpu.memref_slice %arg3[%dma_wait3A_72, %dma_wait3A_73] : memref<8192x128xf32, #tpu.memory_space<hbm>> -> memref<8192x128xf32, #tpu.memory_space<hbm>>
    tpu.wait_indirect_dma semaphore(%arg7 : memref<!tpu.dma_semaphore, #tpu.memory_space<semaphore_mem>>) src(%dma_wait3A_74 : memref<8192x128xf32, #tpu.memory_space<hbm>>) dst(%dma_wait3A_68 : memref<128x128xf32, #tpu.memory_space<vmem>>)
    "tpu.region"() ({
      %run_scoped3A = tpu.sem_alloc : memref<!tpu.dma_semaphore, #tpu.memory_space<semaphore_mem>>
      %dma_start3A_303 = arith.constant 0 : i32
      %dma_start3A_304 = arith.constant 0 : i32
      %dma_start3A_305 = arith.constant 0 : i32
      %dma_start3A_306 = tpu.memref_slice %arg4[%add3A_4, %dma_start3A_303, %dma_start3A_304, %dma_start3A_305] : memref<128x3x128x128xf32, #tpu.memory_space<hbm>> -> memref<1x3x128x128xf32, #tpu.memory_space<hbm>>
      %dma_start3A_307 = tpu.memref_squeeze %dma_start3A_306 : memref<1x3x128x128xf32, #tpu.memory_space<hbm>> -> memref<3x128x128xf32, #tpu.memory_space<hbm>>
      %dma_start3A_308 = arith.constant 0 : i32
      %dma_start3A_309 = arith.constant 0 : i32
      %dma_start3A_310 = arith.constant 0 : i32
      %dma_start3A_311 = tpu.memref_slice %arg4[%add3A_4, %dma_start3A_308, %dma_start3A_309, %dma_start3A_310] : memref<128x3x128x128xf32, #tpu.memory_space<hbm>> -> memref<1x3x128x128xf32, #tpu.memory_space<hbm>>
      %dma_start3A_312 = tpu.memref_squeeze %dma_start3A_311 : memref<1x3x128x128xf32, #tpu.memory_space<hbm>> -> memref<3x128x128xf32, #tpu.memory_space<hbm>>
      tpu.enqueue_dma source(%arg6 : memref<3x128x128xf32, #tpu.memory_space<vmem>>) target(%dma_start3A_312 : memref<3x128x128xf32, #tpu.memory_space<hbm>>) target_semaphore(%run_scoped3A : memref<!tpu.dma_semaphore, #tpu.memory_space<semaphore_mem>>)
      %dma_wait3A_313 = arith.constant 0 : i32
      %dma_wait3A_314 = arith.constant 0 : i32
      %dma_wait3A_315 = arith.constant 0 : i32
      %dma_wait3A_316 = tpu.memref_slice %arg4[%add3A_4, %dma_wait3A_313, %dma_wait3A_314, %dma_wait3A_315] : memref<128x3x128x128xf32, #tpu.memory_space<hbm>> -> memref<1x3x128x128xf32, #tpu.memory_space<hbm>>
      %dma_wait3A_317 = tpu.memref_squeeze %dma_wait3A_316 : memref<1x3x128x128xf32, #tpu.memory_space<hbm>> -> memref<3x128x128xf32, #tpu.memory_space<hbm>>
      %dma_wait3A_318 = arith.constant 0 : i32
      %dma_wait3A_319 = arith.constant 0 : i32
      %dma_wait3A_320 = arith.constant 0 : i32
      %dma_wait3A_321 = tpu.memref_slice %arg4[%add3A_4, %dma_wait3A_318, %dma_wait3A_319, %dma_wait3A_320] : memref<128x3x128x128xf32, #tpu.memory_space<hbm>> -> memref<1x3x128x128xf32, #tpu.memory_space<hbm>>
      %dma_wait3A_322 = tpu.memref_squeeze %dma_wait3A_321 : memref<1x3x128x128xf32, #tpu.memory_space<hbm>> -> memref<3x128x128xf32, #tpu.memory_space<hbm>>
      tpu.wait_dma2 semaphore(%run_scoped3A : memref<!tpu.dma_semaphore, #tpu.memory_space<semaphore_mem>>) src(%arg6 : memref<3x128x128xf32, #tpu.memory_space<vmem>>) dst(%dma_wait3A_322 : memref<3x128x128xf32, #tpu.memory_space<hbm>>)
      tpu.yield
    }) : () -> ()
    %mul3A_75 = arith.constant 4 : i32
    %mul3A_76 = arith.muli %add3A, %mul3A_75 : i32
    %add3A_77 = arith.constant 1 : i32
    %add3A_78 = arith.addi %mul3A_76, %add3A_77 : i32
    "tpu.region"() ({
      %run_scoped3A = tpu.sem_alloc : memref<!tpu.dma_semaphore, #tpu.memory_space<semaphore_mem>>
      %dma_start3A_303 = arith.constant 0 : i32
      %dma_start3A_304 = arith.constant 0 : i32
      %dma_start3A_305 = tpu.memref_slice %arg2[%add3A_78, %dma_start3A_303, %dma_start3A_304] : memref<128x3x128xi32, #tpu.memory_space<hbm>> -> memref<1x3x128xi32, #tpu.memory_space<hbm>>
      %dma_start3A_306 = tpu.memref_squeeze %dma_start3A_305 : memref<1x3x128xi32, #tpu.memory_space<hbm>> -> memref<3x128xi32, #tpu.memory_space<hbm>>
      %dma_start3A_307 = arith.constant 0 : i32
      %dma_start3A_308 = arith.constant 0 : i32
      %dma_start3A_309 = tpu.memref_slice %arg2[%add3A_78, %dma_start3A_307, %dma_start3A_308] : memref<128x3x128xi32, #tpu.memory_space<hbm>> -> memref<1x3x128xi32, #tpu.memory_space<hbm>>
      %dma_start3A_310 = tpu.memref_squeeze %dma_start3A_309 : memref<1x3x128xi32, #tpu.memory_space<hbm>> -> memref<3x128xi32, #tpu.memory_space<hbm>>
      tpu.enqueue_dma source(%dma_start3A_310 : memref<3x128xi32, #tpu.memory_space<hbm>>) target(%arg5 : memref<3x128xi32, #tpu.memory_space<vmem>>) target_semaphore(%run_scoped3A : memref<!tpu.dma_semaphore, #tpu.memory_space<semaphore_mem>>)
      %dma_wait3A_311 = arith.constant 0 : i32
      %dma_wait3A_312 = arith.constant 0 : i32
      %dma_wait3A_313 = tpu.memref_slice %arg2[%add3A_78, %dma_wait3A_311, %dma_wait3A_312] : memref<128x3x128xi32, #tpu.memory_space<hbm>> -> memref<1x3x128xi32, #tpu.memory_space<hbm>>
      %dma_wait3A_314 = tpu.memref_squeeze %dma_wait3A_313 : memref<1x3x128xi32, #tpu.memory_space<hbm>> -> memref<3x128xi32, #tpu.memory_space<hbm>>
      %dma_wait3A_315 = arith.constant 0 : i32
      %dma_wait3A_316 = arith.constant 0 : i32
      %dma_wait3A_317 = tpu.memref_slice %arg2[%add3A_78, %dma_wait3A_315, %dma_wait3A_316] : memref<128x3x128xi32, #tpu.memory_space<hbm>> -> memref<1x3x128xi32, #tpu.memory_space<hbm>>
      %dma_wait3A_318 = tpu.memref_squeeze %dma_wait3A_317 : memref<1x3x128xi32, #tpu.memory_space<hbm>> -> memref<3x128xi32, #tpu.memory_space<hbm>>
      tpu.wait_dma2 semaphore(%run_scoped3A : memref<!tpu.dma_semaphore, #tpu.memory_space<semaphore_mem>>) src(%dma_wait3A_318 : memref<3x128xi32, #tpu.memory_space<hbm>>) dst(%arg5 : memref<3x128xi32, #tpu.memory_space<vmem>>)
      tpu.yield
    }) : () -> ()
    %dma_start3A_79 = arith.constant 0 : i32
    %dma_start3A_80 = arith.constant 0 : i32
    %dma_start3A_81 = arith.constant 0 : i32
    %dma_start3A_82 = arith.constant 0 : i32
    %dma_start3A_83 = tpu.memref_slice %arg6[%dma_start3A_80, %dma_start3A_81, %dma_start3A_82] : memref<3x128x128xf32, #tpu.memory_space<vmem>> -> memref<1x128x128xf32, #tpu.memory_space<vmem>>
    %dma_start3A_84 = tpu.memref_squeeze %dma_start3A_83 : memref<1x128x128xf32, #tpu.memory_space<vmem>> -> memref<128x128xf32, #tpu.memory_space<vmem>>
    %dma_start3A_85 = arith.constant 0 : i32
    %dma_start3A_86 = tpu.memref_slice %arg5[%dma_start3A_79, %dma_start3A_85] : memref<3x128xi32, #tpu.memory_space<vmem>> -> memref<1x128xi32, #tpu.memory_space<vmem>>
    %dma_start3A_87 = tpu.memref_squeeze %dma_start3A_86 : memref<1x128xi32, #tpu.memory_space<vmem>> -> memref<128xi32, #tpu.memory_space<vmem>>
    %dma_start3A_88 = arith.constant 0 : i32
    %dma_start3A_89 = arith.constant 0 : i32
    %dma_start3A_90 = tpu.memref_slice %arg3[%dma_start3A_88, %dma_start3A_89] : memref<8192x128xf32, #tpu.memory_space<hbm>> -> memref<8192x128xf32, #tpu.memory_space<hbm>>
    tpu.enqueue_indirect_dma source(%dma_start3A_90 : memref<8192x128xf32, #tpu.memory_space<hbm>>) target(%dma_start3A_84 : memref<128x128xf32, #tpu.memory_space<vmem>>) offsets(%dma_start3A_87 : memref<128xi32, #tpu.memory_space<vmem>>) semaphore(%arg7 : memref<!tpu.dma_semaphore, #tpu.memory_space<semaphore_mem>>)
    %dma_start3A_91 = arith.constant 1 : i32
    %dma_start3A_92 = arith.constant 1 : i32
    %dma_start3A_93 = arith.constant 0 : i32
    %dma_start3A_94 = arith.constant 0 : i32
    %dma_start3A_95 = tpu.memref_slice %arg6[%dma_start3A_92, %dma_start3A_93, %dma_start3A_94] : memref<3x128x128xf32, #tpu.memory_space<vmem>> -> memref<1x128x128xf32, #tpu.memory_space<vmem>>
    %dma_start3A_96 = tpu.memref_squeeze %dma_start3A_95 : memref<1x128x128xf32, #tpu.memory_space<vmem>> -> memref<128x128xf32, #tpu.memory_space<vmem>>
    %dma_start3A_97 = arith.constant 0 : i32
    %dma_start3A_98 = tpu.memref_slice %arg5[%dma_start3A_91, %dma_start3A_97] : memref<3x128xi32, #tpu.memory_space<vmem>> -> memref<1x128xi32, #tpu.memory_space<vmem>>
    %dma_start3A_99 = tpu.memref_squeeze %dma_start3A_98 : memref<1x128xi32, #tpu.memory_space<vmem>> -> memref<128xi32, #tpu.memory_space<vmem>>
    %dma_start3A_100 = arith.constant 0 : i32
    %dma_start3A_101 = arith.constant 0 : i32
    %dma_start3A_102 = tpu.memref_slice %arg3[%dma_start3A_100, %dma_start3A_101] : memref<8192x128xf32, #tpu.memory_space<hbm>> -> memref<8192x128xf32, #tpu.memory_space<hbm>>
    tpu.enqueue_indirect_dma source(%dma_start3A_102 : memref<8192x128xf32, #tpu.memory_space<hbm>>) target(%dma_start3A_96 : memref<128x128xf32, #tpu.memory_space<vmem>>) offsets(%dma_start3A_99 : memref<128xi32, #tpu.memory_space<vmem>>) semaphore(%arg7 : memref<!tpu.dma_semaphore, #tpu.memory_space<semaphore_mem>>)
    %dma_start3A_103 = arith.constant 2 : i32
    %dma_start3A_104 = arith.constant 2 : i32
    %dma_start3A_105 = arith.constant 0 : i32
    %dma_start3A_106 = arith.constant 0 : i32
    %dma_start3A_107 = tpu.memref_slice %arg6[%dma_start3A_104, %dma_start3A_105, %dma_start3A_106] : memref<3x128x128xf32, #tpu.memory_space<vmem>> -> memref<1x128x128xf32, #tpu.memory_space<vmem>>
    %dma_start3A_108 = tpu.memref_squeeze %dma_start3A_107 : memref<1x128x128xf32, #tpu.memory_space<vmem>> -> memref<128x128xf32, #tpu.memory_space<vmem>>
    %dma_start3A_109 = arith.constant 0 : i32
    %dma_start3A_110 = tpu.memref_slice %arg5[%dma_start3A_103, %dma_start3A_109] : memref<3x128xi32, #tpu.memory_space<vmem>> -> memref<1x128xi32, #tpu.memory_space<vmem>>
    %dma_start3A_111 = tpu.memref_squeeze %dma_start3A_110 : memref<1x128xi32, #tpu.memory_space<vmem>> -> memref<128xi32, #tpu.memory_space<vmem>>
    %dma_start3A_112 = arith.constant 0 : i32
    %dma_start3A_113 = arith.constant 0 : i32
    %dma_start3A_114 = tpu.memref_slice %arg3[%dma_start3A_112, %dma_start3A_113] : memref<8192x128xf32, #tpu.memory_space<hbm>> -> memref<8192x128xf32, #tpu.memory_space<hbm>>
    tpu.enqueue_indirect_dma source(%dma_start3A_114 : memref<8192x128xf32, #tpu.memory_space<hbm>>) target(%dma_start3A_108 : memref<128x128xf32, #tpu.memory_space<vmem>>) offsets(%dma_start3A_111 : memref<128xi32, #tpu.memory_space<vmem>>) semaphore(%arg7 : memref<!tpu.dma_semaphore, #tpu.memory_space<semaphore_mem>>)
    %dma_wait3A_115 = arith.constant 0 : i32
    %dma_wait3A_116 = arith.constant 0 : i32
    %dma_wait3A_117 = arith.constant 0 : i32
    %dma_wait3A_118 = arith.constant 0 : i32
    %dma_wait3A_119 = tpu.memref_slice %arg6[%dma_wait3A_116, %dma_wait3A_117, %dma_wait3A_118] : memref<3x128x128xf32, #tpu.memory_space<vmem>> -> memref<1x128x128xf32, #tpu.memory_space<vmem>>
    %dma_wait3A_120 = tpu.memref_squeeze %dma_wait3A_119 : memref<1x128x128xf32, #tpu.memory_space<vmem>> -> memref<128x128xf32, #tpu.memory_space<vmem>>
    %dma_wait3A_121 = arith.constant 0 : i32
    %dma_wait3A_122 = tpu.memref_slice %arg5[%dma_wait3A_115, %dma_wait3A_121] : memref<3x128xi32, #tpu.memory_space<vmem>> -> memref<1x128xi32, #tpu.memory_space<vmem>>
    %dma_wait3A_123 = tpu.memref_squeeze %dma_wait3A_122 : memref<1x128xi32, #tpu.memory_space<vmem>> -> memref<128xi32, #tpu.memory_space<vmem>>
    %dma_wait3A_124 = arith.constant 0 : i32
    %dma_wait3A_125 = arith.constant 0 : i32
    %dma_wait3A_126 = tpu.memref_slice %arg3[%dma_wait3A_124, %dma_wait3A_125] : memref<8192x128xf32, #tpu.memory_space<hbm>> -> memref<8192x128xf32, #tpu.memory_space<hbm>>
    tpu.wait_indirect_dma semaphore(%arg7 : memref<!tpu.dma_semaphore, #tpu.memory_space<semaphore_mem>>) src(%dma_wait3A_126 : memref<8192x128xf32, #tpu.memory_space<hbm>>) dst(%dma_wait3A_120 : memref<128x128xf32, #tpu.memory_space<vmem>>)
    %dma_wait3A_127 = arith.constant 1 : i32
    %dma_wait3A_128 = arith.constant 1 : i32
    %dma_wait3A_129 = arith.constant 0 : i32
    %dma_wait3A_130 = arith.constant 0 : i32
    %dma_wait3A_131 = tpu.memref_slice %arg6[%dma_wait3A_128, %dma_wait3A_129, %dma_wait3A_130] : memref<3x128x128xf32, #tpu.memory_space<vmem>> -> memref<1x128x128xf32, #tpu.memory_space<vmem>>
    %dma_wait3A_132 = tpu.memref_squeeze %dma_wait3A_131 : memref<1x128x128xf32, #tpu.memory_space<vmem>> -> memref<128x128xf32, #tpu.memory_space<vmem>>
    %dma_wait3A_133 = arith.constant 0 : i32
    %dma_wait3A_134 = tpu.memref_slice %arg5[%dma_wait3A_127, %dma_wait3A_133] : memref<3x128xi32, #tpu.memory_space<vmem>> -> memref<1x128xi32, #tpu.memory_space<vmem>>
    %dma_wait3A_135 = tpu.memref_squeeze %dma_wait3A_134 : memref<1x128xi32, #tpu.memory_space<vmem>> -> memref<128xi32, #tpu.memory_space<vmem>>
    %dma_wait3A_136 = arith.constant 0 : i32
    %dma_wait3A_137 = arith.constant 0 : i32
    %dma_wait3A_138 = tpu.memref_slice %arg3[%dma_wait3A_136, %dma_wait3A_137] : memref<8192x128xf32, #tpu.memory_space<hbm>> -> memref<8192x128xf32, #tpu.memory_space<hbm>>
    tpu.wait_indirect_dma semaphore(%arg7 : memref<!tpu.dma_semaphore, #tpu.memory_space<semaphore_mem>>) src(%dma_wait3A_138 : memref<8192x128xf32, #tpu.memory_space<hbm>>) dst(%dma_wait3A_132 : memref<128x128xf32, #tpu.memory_space<vmem>>)
    %dma_wait3A_139 = arith.constant 2 : i32
    %dma_wait3A_140 = arith.constant 2 : i32
    %dma_wait3A_141 = arith.constant 0 : i32
    %dma_wait3A_142 = arith.constant 0 : i32
    %dma_wait3A_143 = tpu.memref_slice %arg6[%dma_wait3A_140, %dma_wait3A_141, %dma_wait3A_142] : memref<3x128x128xf32, #tpu.memory_space<vmem>> -> memref<1x128x128xf32, #tpu.memory_space<vmem>>
    %dma_wait3A_144 = tpu.memref_squeeze %dma_wait3A_143 : memref<1x128x128xf32, #tpu.memory_space<vmem>> -> memref<128x128xf32, #tpu.memory_space<vmem>>
    %dma_wait3A_145 = arith.constant 0 : i32
    %dma_wait3A_146 = tpu.memref_slice %arg5[%dma_wait3A_139, %dma_wait3A_145] : memref<3x128xi32, #tpu.memory_space<vmem>> -> memref<1x128xi32, #tpu.memory_space<vmem>>
    %dma_wait3A_147 = tpu.memref_squeeze %dma_wait3A_146 : memref<1x128xi32, #tpu.memory_space<vmem>> -> memref<128xi32, #tpu.memory_space<vmem>>
    %dma_wait3A_148 = arith.constant 0 : i32
    %dma_wait3A_149 = arith.constant 0 : i32
    %dma_wait3A_150 = tpu.memref_slice %arg3[%dma_wait3A_148, %dma_wait3A_149] : memref<8192x128xf32, #tpu.memory_space<hbm>> -> memref<8192x128xf32, #tpu.memory_space<hbm>>
    tpu.wait_indirect_dma semaphore(%arg7 : memref<!tpu.dma_semaphore, #tpu.memory_space<semaphore_mem>>) src(%dma_wait3A_150 : memref<8192x128xf32, #tpu.memory_space<hbm>>) dst(%dma_wait3A_144 : memref<128x128xf32, #tpu.memory_space<vmem>>)
    "tpu.region"() ({
      %run_scoped3A = tpu.sem_alloc : memref<!tpu.dma_semaphore, #tpu.memory_space<semaphore_mem>>
      %dma_start3A_303 = arith.constant 0 : i32
      %dma_start3A_304 = arith.constant 0 : i32
      %dma_start3A_305 = arith.constant 0 : i32
      %dma_start3A_306 = tpu.memref_slice %arg4[%add3A_78, %dma_start3A_303, %dma_start3A_304, %dma_start3A_305] : memref<128x3x128x128xf32, #tpu.memory_space<hbm>> -> memref<1x3x128x128xf32, #tpu.memory_space<hbm>>
      %dma_start3A_307 = tpu.memref_squeeze %dma_start3A_306 : memref<1x3x128x128xf32, #tpu.memory_space<hbm>> -> memref<3x128x128xf32, #tpu.memory_space<hbm>>
      %dma_start3A_308 = arith.constant 0 : i32
      %dma_start3A_309 = arith.constant 0 : i32
      %dma_start3A_310 = arith.constant 0 : i32
      %dma_start3A_311 = tpu.memref_slice %arg4[%add3A_78, %dma_start3A_308, %dma_start3A_309, %dma_start3A_310] : memref<128x3x128x128xf32, #tpu.memory_space<hbm>> -> memref<1x3x128x128xf32, #tpu.memory_space<hbm>>
      %dma_start3A_312 = tpu.memref_squeeze %dma_start3A_311 : memref<1x3x128x128xf32, #tpu.memory_space<hbm>> -> memref<3x128x128xf32, #tpu.memory_space<hbm>>
      tpu.enqueue_dma source(%arg6 : memref<3x128x128xf32, #tpu.memory_space<vmem>>) target(%dma_start3A_312 : memref<3x128x128xf32, #tpu.memory_space<hbm>>) target_semaphore(%run_scoped3A : memref<!tpu.dma_semaphore, #tpu.memory_space<semaphore_mem>>)
      %dma_wait3A_313 = arith.constant 0 : i32
      %dma_wait3A_314 = arith.constant 0 : i32
      %dma_wait3A_315 = arith.constant 0 : i32
      %dma_wait3A_316 = tpu.memref_slice %arg4[%add3A_78, %dma_wait3A_313, %dma_wait3A_314, %dma_wait3A_315] : memref<128x3x128x128xf32, #tpu.memory_space<hbm>> -> memref<1x3x128x128xf32, #tpu.memory_space<hbm>>
      %dma_wait3A_317 = tpu.memref_squeeze %dma_wait3A_316 : memref<1x3x128x128xf32, #tpu.memory_space<hbm>> -> memref<3x128x128xf32, #tpu.memory_space<hbm>>
      %dma_wait3A_318 = arith.constant 0 : i32
      %dma_wait3A_319 = arith.constant 0 : i32
      %dma_wait3A_320 = arith.constant 0 : i32
      %dma_wait3A_321 = tpu.memref_slice %arg4[%add3A_78, %dma_wait3A_318, %dma_wait3A_319, %dma_wait3A_320] : memref<128x3x128x128xf32, #tpu.memory_space<hbm>> -> memref<1x3x128x128xf32, #tpu.memory_space<hbm>>
      %dma_wait3A_322 = tpu.memref_squeeze %dma_wait3A_321 : memref<1x3x128x128xf32, #tpu.memory_space<hbm>> -> memref<3x128x128xf32, #tpu.memory_space<hbm>>
      tpu.wait_dma2 semaphore(%run_scoped3A : memref<!tpu.dma_semaphore, #tpu.memory_space<semaphore_mem>>) src(%arg6 : memref<3x128x128xf32, #tpu.memory_space<vmem>>) dst(%dma_wait3A_322 : memref<3x128x128xf32, #tpu.memory_space<hbm>>)
      tpu.yield
    }) : () -> ()
    %mul3A_151 = arith.constant 4 : i32
    %mul3A_152 = arith.muli %add3A, %mul3A_151 : i32
    %add3A_153 = arith.constant 2 : i32
    %add3A_154 = arith.addi %mul3A_152, %add3A_153 : i32
    "tpu.region"() ({
      %run_scoped3A = tpu.sem_alloc : memref<!tpu.dma_semaphore, #tpu.memory_space<semaphore_mem>>
      %dma_start3A_303 = arith.constant 0 : i32
      %dma_start3A_304 = arith.constant 0 : i32
      %dma_start3A_305 = tpu.memref_slice %arg2[%add3A_154, %dma_start3A_303, %dma_start3A_304] : memref<128x3x128xi32, #tpu.memory_space<hbm>> -> memref<1x3x128xi32, #tpu.memory_space<hbm>>
      %dma_start3A_306 = tpu.memref_squeeze %dma_start3A_305 : memref<1x3x128xi32, #tpu.memory_space<hbm>> -> memref<3x128xi32, #tpu.memory_space<hbm>>
      %dma_start3A_307 = arith.constant 0 : i32
      %dma_start3A_308 = arith.constant 0 : i32
      %dma_start3A_309 = tpu.memref_slice %arg2[%add3A_154, %dma_start3A_307, %dma_start3A_308] : memref<128x3x128xi32, #tpu.memory_space<hbm>> -> memref<1x3x128xi32, #tpu.memory_space<hbm>>
      %dma_start3A_310 = tpu.memref_squeeze %dma_start3A_309 : memref<1x3x128xi32, #tpu.memory_space<hbm>> -> memref<3x128xi32, #tpu.memory_space<hbm>>
      tpu.enqueue_dma source(%dma_start3A_310 : memref<3x128xi32, #tpu.memory_space<hbm>>) target(%arg5 : memref<3x128xi32, #tpu.memory_space<vmem>>) target_semaphore(%run_scoped3A : memref<!tpu.dma_semaphore, #tpu.memory_space<semaphore_mem>>)
      %dma_wait3A_311 = arith.constant 0 : i32
      %dma_wait3A_312 = arith.constant 0 : i32
      %dma_wait3A_313 = tpu.memref_slice %arg2[%add3A_154, %dma_wait3A_311, %dma_wait3A_312] : memref<128x3x128xi32, #tpu.memory_space<hbm>> -> memref<1x3x128xi32, #tpu.memory_space<hbm>>
      %dma_wait3A_314 = tpu.memref_squeeze %dma_wait3A_313 : memref<1x3x128xi32, #tpu.memory_space<hbm>> -> memref<3x128xi32, #tpu.memory_space<hbm>>
      %dma_wait3A_315 = arith.constant 0 : i32
      %dma_wait3A_316 = arith.constant 0 : i32
      %dma_wait3A_317 = tpu.memref_slice %arg2[%add3A_154, %dma_wait3A_315, %dma_wait3A_316] : memref<128x3x128xi32, #tpu.memory_space<hbm>> -> memref<1x3x128xi32, #tpu.memory_space<hbm>>
      %dma_wait3A_318 = tpu.memref_squeeze %dma_wait3A_317 : memref<1x3x128xi32, #tpu.memory_space<hbm>> -> memref<3x128xi32, #tpu.memory_space<hbm>>
      tpu.wait_dma2 semaphore(%run_scoped3A : memref<!tpu.dma_semaphore, #tpu.memory_space<semaphore_mem>>) src(%dma_wait3A_318 : memref<3x128xi32, #tpu.memory_space<hbm>>) dst(%arg5 : memref<3x128xi32, #tpu.memory_space<vmem>>)
      tpu.yield
    }) : () -> ()
    %dma_start3A_155 = arith.constant 0 : i32
    %dma_start3A_156 = arith.constant 0 : i32
    %dma_start3A_157 = arith.constant 0 : i32
    %dma_start3A_158 = arith.constant 0 : i32
    %dma_start3A_159 = tpu.memref_slice %arg6[%dma_start3A_156, %dma_start3A_157, %dma_start3A_158] : memref<3x128x128xf32, #tpu.memory_space<vmem>> -> memref<1x128x128xf32, #tpu.memory_space<vmem>>
    %dma_start3A_160 = tpu.memref_squeeze %dma_start3A_159 : memref<1x128x128xf32, #tpu.memory_space<vmem>> -> memref<128x128xf32, #tpu.memory_space<vmem>>
    %dma_start3A_161 = arith.constant 0 : i32
    %dma_start3A_162 = tpu.memref_slice %arg5[%dma_start3A_155, %dma_start3A_161] : memref<3x128xi32, #tpu.memory_space<vmem>> -> memref<1x128xi32, #tpu.memory_space<vmem>>
    %dma_start3A_163 = tpu.memref_squeeze %dma_start3A_162 : memref<1x128xi32, #tpu.memory_space<vmem>> -> memref<128xi32, #tpu.memory_space<vmem>>
    %dma_start3A_164 = arith.constant 0 : i32
    %dma_start3A_165 = arith.constant 0 : i32
    %dma_start3A_166 = tpu.memref_slice %arg3[%dma_start3A_164, %dma_start3A_165] : memref<8192x128xf32, #tpu.memory_space<hbm>> -> memref<8192x128xf32, #tpu.memory_space<hbm>>
    tpu.enqueue_indirect_dma source(%dma_start3A_166 : memref<8192x128xf32, #tpu.memory_space<hbm>>) target(%dma_start3A_160 : memref<128x128xf32, #tpu.memory_space<vmem>>) offsets(%dma_start3A_163 : memref<128xi32, #tpu.memory_space<vmem>>) semaphore(%arg7 : memref<!tpu.dma_semaphore, #tpu.memory_space<semaphore_mem>>)
    %dma_start3A_167 = arith.constant 1 : i32
    %dma_start3A_168 = arith.constant 1 : i32
    %dma_start3A_169 = arith.constant 0 : i32
    %dma_start3A_170 = arith.constant 0 : i32
    %dma_start3A_171 = tpu.memref_slice %arg6[%dma_start3A_168, %dma_start3A_169, %dma_start3A_170] : memref<3x128x128xf32, #tpu.memory_space<vmem>> -> memref<1x128x128xf32, #tpu.memory_space<vmem>>
    %dma_start3A_172 = tpu.memref_squeeze %dma_start3A_171 : memref<1x128x128xf32, #tpu.memory_space<vmem>> -> memref<128x128xf32, #tpu.memory_space<vmem>>
    %dma_start3A_173 = arith.constant 0 : i32
    %dma_start3A_174 = tpu.memref_slice %arg5[%dma_start3A_167, %dma_start3A_173] : memref<3x128xi32, #tpu.memory_space<vmem>> -> memref<1x128xi32, #tpu.memory_space<vmem>>
    %dma_start3A_175 = tpu.memref_squeeze %dma_start3A_174 : memref<1x128xi32, #tpu.memory_space<vmem>> -> memref<128xi32, #tpu.memory_space<vmem>>
    %dma_start3A_176 = arith.constant 0 : i32
    %dma_start3A_177 = arith.constant 0 : i32
    %dma_start3A_178 = tpu.memref_slice %arg3[%dma_start3A_176, %dma_start3A_177] : memref<8192x128xf32, #tpu.memory_space<hbm>> -> memref<8192x128xf32, #tpu.memory_space<hbm>>
    tpu.enqueue_indirect_dma source(%dma_start3A_178 : memref<8192x128xf32, #tpu.memory_space<hbm>>) target(%dma_start3A_172 : memref<128x128xf32, #tpu.memory_space<vmem>>) offsets(%dma_start3A_175 : memref<128xi32, #tpu.memory_space<vmem>>) semaphore(%arg7 : memref<!tpu.dma_semaphore, #tpu.memory_space<semaphore_mem>>)
    %dma_start3A_179 = arith.constant 2 : i32
    %dma_start3A_180 = arith.constant 2 : i32
    %dma_start3A_181 = arith.constant 0 : i32
    %dma_start3A_182 = arith.constant 0 : i32
    %dma_start3A_183 = tpu.memref_slice %arg6[%dma_start3A_180, %dma_start3A_181, %dma_start3A_182] : memref<3x128x128xf32, #tpu.memory_space<vmem>> -> memref<1x128x128xf32, #tpu.memory_space<vmem>>
    %dma_start3A_184 = tpu.memref_squeeze %dma_start3A_183 : memref<1x128x128xf32, #tpu.memory_space<vmem>> -> memref<128x128xf32, #tpu.memory_space<vmem>>
    %dma_start3A_185 = arith.constant 0 : i32
    %dma_start3A_186 = tpu.memref_slice %arg5[%dma_start3A_179, %dma_start3A_185] : memref<3x128xi32, #tpu.memory_space<vmem>> -> memref<1x128xi32, #tpu.memory_space<vmem>>
    %dma_start3A_187 = tpu.memref_squeeze %dma_start3A_186 : memref<1x128xi32, #tpu.memory_space<vmem>> -> memref<128xi32, #tpu.memory_space<vmem>>
    %dma_start3A_188 = arith.constant 0 : i32
    %dma_start3A_189 = arith.constant 0 : i32
    %dma_start3A_190 = tpu.memref_slice %arg3[%dma_start3A_188, %dma_start3A_189] : memref<8192x128xf32, #tpu.memory_space<hbm>> -> memref<8192x128xf32, #tpu.memory_space<hbm>>
    tpu.enqueue_indirect_dma source(%dma_start3A_190 : memref<8192x128xf32, #tpu.memory_space<hbm>>) target(%dma_start3A_184 : memref<128x128xf32, #tpu.memory_space<vmem>>) offsets(%dma_start3A_187 : memref<128xi32, #tpu.memory_space<vmem>>) semaphore(%arg7 : memref<!tpu.dma_semaphore, #tpu.memory_space<semaphore_mem>>)
    %dma_wait3A_191 = arith.constant 0 : i32
    %dma_wait3A_192 = arith.constant 0 : i32
    %dma_wait3A_193 = arith.constant 0 : i32
    %dma_wait3A_194 = arith.constant 0 : i32
    %dma_wait3A_195 = tpu.memref_slice %arg6[%dma_wait3A_192, %dma_wait3A_193, %dma_wait3A_194] : memref<3x128x128xf32, #tpu.memory_space<vmem>> -> memref<1x128x128xf32, #tpu.memory_space<vmem>>
    %dma_wait3A_196 = tpu.memref_squeeze %dma_wait3A_195 : memref<1x128x128xf32, #tpu.memory_space<vmem>> -> memref<128x128xf32, #tpu.memory_space<vmem>>
    %dma_wait3A_197 = arith.constant 0 : i32
    %dma_wait3A_198 = tpu.memref_slice %arg5[%dma_wait3A_191, %dma_wait3A_197] : memref<3x128xi32, #tpu.memory_space<vmem>> -> memref<1x128xi32, #tpu.memory_space<vmem>>
    %dma_wait3A_199 = tpu.memref_squeeze %dma_wait3A_198 : memref<1x128xi32, #tpu.memory_space<vmem>> -> memref<128xi32, #tpu.memory_space<vmem>>
    %dma_wait3A_200 = arith.constant 0 : i32
    %dma_wait3A_201 = arith.constant 0 : i32
    %dma_wait3A_202 = tpu.memref_slice %arg3[%dma_wait3A_200, %dma_wait3A_201] : memref<8192x128xf32, #tpu.memory_space<hbm>> -> memref<8192x128xf32, #tpu.memory_space<hbm>>
    tpu.wait_indirect_dma semaphore(%arg7 : memref<!tpu.dma_semaphore, #tpu.memory_space<semaphore_mem>>) src(%dma_wait3A_202 : memref<8192x128xf32, #tpu.memory_space<hbm>>) dst(%dma_wait3A_196 : memref<128x128xf32, #tpu.memory_space<vmem>>)
    %dma_wait3A_203 = arith.constant 1 : i32
    %dma_wait3A_204 = arith.constant 1 : i32
    %dma_wait3A_205 = arith.constant 0 : i32
    %dma_wait3A_206 = arith.constant 0 : i32
    %dma_wait3A_207 = tpu.memref_slice %arg6[%dma_wait3A_204, %dma_wait3A_205, %dma_wait3A_206] : memref<3x128x128xf32, #tpu.memory_space<vmem>> -> memref<1x128x128xf32, #tpu.memory_space<vmem>>
    %dma_wait3A_208 = tpu.memref_squeeze %dma_wait3A_207 : memref<1x128x128xf32, #tpu.memory_space<vmem>> -> memref<128x128xf32, #tpu.memory_space<vmem>>
    %dma_wait3A_209 = arith.constant 0 : i32
    %dma_wait3A_210 = tpu.memref_slice %arg5[%dma_wait3A_203, %dma_wait3A_209] : memref<3x128xi32, #tpu.memory_space<vmem>> -> memref<1x128xi32, #tpu.memory_space<vmem>>
    %dma_wait3A_211 = tpu.memref_squeeze %dma_wait3A_210 : memref<1x128xi32, #tpu.memory_space<vmem>> -> memref<128xi32, #tpu.memory_space<vmem>>
    %dma_wait3A_212 = arith.constant 0 : i32
    %dma_wait3A_213 = arith.constant 0 : i32
    %dma_wait3A_214 = tpu.memref_slice %arg3[%dma_wait3A_212, %dma_wait3A_213] : memref<8192x128xf32, #tpu.memory_space<hbm>> -> memref<8192x128xf32, #tpu.memory_space<hbm>>
    tpu.wait_indirect_dma semaphore(%arg7 : memref<!tpu.dma_semaphore, #tpu.memory_space<semaphore_mem>>) src(%dma_wait3A_214 : memref<8192x128xf32, #tpu.memory_space<hbm>>) dst(%dma_wait3A_208 : memref<128x128xf32, #tpu.memory_space<vmem>>)
    %dma_wait3A_215 = arith.constant 2 : i32
    %dma_wait3A_216 = arith.constant 2 : i32
    %dma_wait3A_217 = arith.constant 0 : i32
    %dma_wait3A_218 = arith.constant 0 : i32
    %dma_wait3A_219 = tpu.memref_slice %arg6[%dma_wait3A_216, %dma_wait3A_217, %dma_wait3A_218] : memref<3x128x128xf32, #tpu.memory_space<vmem>> -> memref<1x128x128xf32, #tpu.memory_space<vmem>>
    %dma_wait3A_220 = tpu.memref_squeeze %dma_wait3A_219 : memref<1x128x128xf32, #tpu.memory_space<vmem>> -> memref<128x128xf32, #tpu.memory_space<vmem>>
    %dma_wait3A_221 = arith.constant 0 : i32
    %dma_wait3A_222 = tpu.memref_slice %arg5[%dma_wait3A_215, %dma_wait3A_221] : memref<3x128xi32, #tpu.memory_space<vmem>> -> memref<1x128xi32, #tpu.memory_space<vmem>>
    %dma_wait3A_223 = tpu.memref_squeeze %dma_wait3A_222 : memref<1x128xi32, #tpu.memory_space<vmem>> -> memref<128xi32, #tpu.memory_space<vmem>>
    %dma_wait3A_224 = arith.constant 0 : i32
    %dma_wait3A_225 = arith.constant 0 : i32
    %dma_wait3A_226 = tpu.memref_slice %arg3[%dma_wait3A_224, %dma_wait3A_225] : memref<8192x128xf32, #tpu.memory_space<hbm>> -> memref<8192x128xf32, #tpu.memory_space<hbm>>
    tpu.wait_indirect_dma semaphore(%arg7 : memref<!tpu.dma_semaphore, #tpu.memory_space<semaphore_mem>>) src(%dma_wait3A_226 : memref<8192x128xf32, #tpu.memory_space<hbm>>) dst(%dma_wait3A_220 : memref<128x128xf32, #tpu.memory_space<vmem>>)
    "tpu.region"() ({
      %run_scoped3A = tpu.sem_alloc : memref<!tpu.dma_semaphore, #tpu.memory_space<semaphore_mem>>
      %dma_start3A_303 = arith.constant 0 : i32
      %dma_start3A_304 = arith.constant 0 : i32
      %dma_start3A_305 = arith.constant 0 : i32
      %dma_start3A_306 = tpu.memref_slice %arg4[%add3A_154, %dma_start3A_303, %dma_start3A_304, %dma_start3A_305] : memref<128x3x128x128xf32, #tpu.memory_space<hbm>> -> memref<1x3x128x128xf32, #tpu.memory_space<hbm>>
      %dma_start3A_307 = tpu.memref_squeeze %dma_start3A_306 : memref<1x3x128x128xf32, #tpu.memory_space<hbm>> -> memref<3x128x128xf32, #tpu.memory_space<hbm>>
      %dma_start3A_308 = arith.constant 0 : i32
      %dma_start3A_309 = arith.constant 0 : i32
      %dma_start3A_310 = arith.constant 0 : i32
      %dma_start3A_311 = tpu.memref_slice %arg4[%add3A_154, %dma_start3A_308, %dma_start3A_309, %dma_start3A_310] : memref<128x3x128x128xf32, #tpu.memory_space<hbm>> -> memref<1x3x128x128xf32, #tpu.memory_space<hbm>>
      %dma_start3A_312 = tpu.memref_squeeze %dma_start3A_311 : memref<1x3x128x128xf32, #tpu.memory_space<hbm>> -> memref<3x128x128xf32, #tpu.memory_space<hbm>>
      tpu.enqueue_dma source(%arg6 : memref<3x128x128xf32, #tpu.memory_space<vmem>>) target(%dma_start3A_312 : memref<3x128x128xf32, #tpu.memory_space<hbm>>) target_semaphore(%run_scoped3A : memref<!tpu.dma_semaphore, #tpu.memory_space<semaphore_mem>>)
      %dma_wait3A_313 = arith.constant 0 : i32
      %dma_wait3A_314 = arith.constant 0 : i32
      %dma_wait3A_315 = arith.constant 0 : i32
      %dma_wait3A_316 = tpu.memref_slice %arg4[%add3A_154, %dma_wait3A_313, %dma_wait3A_314, %dma_wait3A_315] : memref<128x3x128x128xf32, #tpu.memory_space<hbm>> -> memref<1x3x128x128xf32, #tpu.memory_space<hbm>>
      %dma_wait3A_317 = tpu.memref_squeeze %dma_wait3A_316 : memref<1x3x128x128xf32, #tpu.memory_space<hbm>> -> memref<3x128x128xf32, #tpu.memory_space<hbm>>
      %dma_wait3A_318 = arith.constant 0 : i32
      %dma_wait3A_319 = arith.constant 0 : i32
      %dma_wait3A_320 = arith.constant 0 : i32
      %dma_wait3A_321 = tpu.memref_slice %arg4[%add3A_154, %dma_wait3A_318, %dma_wait3A_319, %dma_wait3A_320] : memref<128x3x128x128xf32, #tpu.memory_space<hbm>> -> memref<1x3x128x128xf32, #tpu.memory_space<hbm>>
      %dma_wait3A_322 = tpu.memref_squeeze %dma_wait3A_321 : memref<1x3x128x128xf32, #tpu.memory_space<hbm>> -> memref<3x128x128xf32, #tpu.memory_space<hbm>>
      tpu.wait_dma2 semaphore(%run_scoped3A : memref<!tpu.dma_semaphore, #tpu.memory_space<semaphore_mem>>) src(%arg6 : memref<3x128x128xf32, #tpu.memory_space<vmem>>) dst(%dma_wait3A_322 : memref<3x128x128xf32, #tpu.memory_space<hbm>>)
      tpu.yield
    }) : () -> ()
    %mul3A_227 = arith.constant 4 : i32
    %mul3A_228 = arith.muli %add3A, %mul3A_227 : i32
    %add3A_229 = arith.constant 3 : i32
    %add3A_230 = arith.addi %mul3A_228, %add3A_229 : i32
    "tpu.region"() ({
      %run_scoped3A = tpu.sem_alloc : memref<!tpu.dma_semaphore, #tpu.memory_space<semaphore_mem>>
      %dma_start3A_303 = arith.constant 0 : i32
      %dma_start3A_304 = arith.constant 0 : i32
      %dma_start3A_305 = tpu.memref_slice %arg2[%add3A_230, %dma_start3A_303, %dma_start3A_304] : memref<128x3x128xi32, #tpu.memory_space<hbm>> -> memref<1x3x128xi32, #tpu.memory_space<hbm>>
      %dma_start3A_306 = tpu.memref_squeeze %dma_start3A_305 : memref<1x3x128xi32, #tpu.memory_space<hbm>> -> memref<3x128xi32, #tpu.memory_space<hbm>>
      %dma_start3A_307 = arith.constant 0 : i32
      %dma_start3A_308 = arith.constant 0 : i32
      %dma_start3A_309 = tpu.memref_slice %arg2[%add3A_230, %dma_start3A_307, %dma_start3A_308] : memref<128x3x128xi32, #tpu.memory_space<hbm>> -> memref<1x3x128xi32, #tpu.memory_space<hbm>>
      %dma_start3A_310 = tpu.memref_squeeze %dma_start3A_309 : memref<1x3x128xi32, #tpu.memory_space<hbm>> -> memref<3x128xi32, #tpu.memory_space<hbm>>
      tpu.enqueue_dma source(%dma_start3A_310 : memref<3x128xi32, #tpu.memory_space<hbm>>) target(%arg5 : memref<3x128xi32, #tpu.memory_space<vmem>>) target_semaphore(%run_scoped3A : memref<!tpu.dma_semaphore, #tpu.memory_space<semaphore_mem>>)
      %dma_wait3A_311 = arith.constant 0 : i32
      %dma_wait3A_312 = arith.constant 0 : i32
      %dma_wait3A_313 = tpu.memref_slice %arg2[%add3A_230, %dma_wait3A_311, %dma_wait3A_312] : memref<128x3x128xi32, #tpu.memory_space<hbm>> -> memref<1x3x128xi32, #tpu.memory_space<hbm>>
      %dma_wait3A_314 = tpu.memref_squeeze %dma_wait3A_313 : memref<1x3x128xi32, #tpu.memory_space<hbm>> -> memref<3x128xi32, #tpu.memory_space<hbm>>
      %dma_wait3A_315 = arith.constant 0 : i32
      %dma_wait3A_316 = arith.constant 0 : i32
      %dma_wait3A_317 = tpu.memref_slice %arg2[%add3A_230, %dma_wait3A_315, %dma_wait3A_316] : memref<128x3x128xi32, #tpu.memory_space<hbm>> -> memref<1x3x128xi32, #tpu.memory_space<hbm>>
      %dma_wait3A_318 = tpu.memref_squeeze %dma_wait3A_317 : memref<1x3x128xi32, #tpu.memory_space<hbm>> -> memref<3x128xi32, #tpu.memory_space<hbm>>
      tpu.wait_dma2 semaphore(%run_scoped3A : memref<!tpu.dma_semaphore, #tpu.memory_space<semaphore_mem>>) src(%dma_wait3A_318 : memref<3x128xi32, #tpu.memory_space<hbm>>) dst(%arg5 : memref<3x128xi32, #tpu.memory_space<vmem>>)
      tpu.yield
    }) : () -> ()
    %dma_start3A_231 = arith.constant 0 : i32
    %dma_start3A_232 = arith.constant 0 : i32
    %dma_start3A_233 = arith.constant 0 : i32
    %dma_start3A_234 = arith.constant 0 : i32
    %dma_start3A_235 = tpu.memref_slice %arg6[%dma_start3A_232, %dma_start3A_233, %dma_start3A_234] : memref<3x128x128xf32, #tpu.memory_space<vmem>> -> memref<1x128x128xf32, #tpu.memory_space<vmem>>
    %dma_start3A_236 = tpu.memref_squeeze %dma_start3A_235 : memref<1x128x128xf32, #tpu.memory_space<vmem>> -> memref<128x128xf32, #tpu.memory_space<vmem>>
    %dma_start3A_237 = arith.constant 0 : i32
    %dma_start3A_238 = tpu.memref_slice %arg5[%dma_start3A_231, %dma_start3A_237] : memref<3x128xi32, #tpu.memory_space<vmem>> -> memref<1x128xi32, #tpu.memory_space<vmem>>
    %dma_start3A_239 = tpu.memref_squeeze %dma_start3A_238 : memref<1x128xi32, #tpu.memory_space<vmem>> -> memref<128xi32, #tpu.memory_space<vmem>>
    %dma_start3A_240 = arith.constant 0 : i32
    %dma_start3A_241 = arith.constant 0 : i32
    %dma_start3A_242 = tpu.memref_slice %arg3[%dma_start3A_240, %dma_start3A_241] : memref<8192x128xf32, #tpu.memory_space<hbm>> -> memref<8192x128xf32, #tpu.memory_space<hbm>>
    tpu.enqueue_indirect_dma source(%dma_start3A_242 : memref<8192x128xf32, #tpu.memory_space<hbm>>) target(%dma_start3A_236 : memref<128x128xf32, #tpu.memory_space<vmem>>) offsets(%dma_start3A_239 : memref<128xi32, #tpu.memory_space<vmem>>) semaphore(%arg7 : memref<!tpu.dma_semaphore, #tpu.memory_space<semaphore_mem>>)
    %dma_start3A_243 = arith.constant 1 : i32
    %dma_start3A_244 = arith.constant 1 : i32
    %dma_start3A_245 = arith.constant 0 : i32
    %dma_start3A_246 = arith.constant 0 : i32
    %dma_start3A_247 = tpu.memref_slice %arg6[%dma_start3A_244, %dma_start3A_245, %dma_start3A_246] : memref<3x128x128xf32, #tpu.memory_space<vmem>> -> memref<1x128x128xf32, #tpu.memory_space<vmem>>
    %dma_start3A_248 = tpu.memref_squeeze %dma_start3A_247 : memref<1x128x128xf32, #tpu.memory_space<vmem>> -> memref<128x128xf32, #tpu.memory_space<vmem>>
    %dma_start3A_249 = arith.constant 0 : i32
    %dma_start3A_250 = tpu.memref_slice %arg5[%dma_start3A_243, %dma_start3A_249] : memref<3x128xi32, #tpu.memory_space<vmem>> -> memref<1x128xi32, #tpu.memory_space<vmem>>
    %dma_start3A_251 = tpu.memref_squeeze %dma_start3A_250 : memref<1x128xi32, #tpu.memory_space<vmem>> -> memref<128xi32, #tpu.memory_space<vmem>>
    %dma_start3A_252 = arith.constant 0 : i32
    %dma_start3A_253 = arith.constant 0 : i32
    %dma_start3A_254 = tpu.memref_slice %arg3[%dma_start3A_252, %dma_start3A_253] : memref<8192x128xf32, #tpu.memory_space<hbm>> -> memref<8192x128xf32, #tpu.memory_space<hbm>>
    tpu.enqueue_indirect_dma source(%dma_start3A_254 : memref<8192x128xf32, #tpu.memory_space<hbm>>) target(%dma_start3A_248 : memref<128x128xf32, #tpu.memory_space<vmem>>) offsets(%dma_start3A_251 : memref<128xi32, #tpu.memory_space<vmem>>) semaphore(%arg7 : memref<!tpu.dma_semaphore, #tpu.memory_space<semaphore_mem>>)
    %dma_start3A_255 = arith.constant 2 : i32
    %dma_start3A_256 = arith.constant 2 : i32
    %dma_start3A_257 = arith.constant 0 : i32
    %dma_start3A_258 = arith.constant 0 : i32
    %dma_start3A_259 = tpu.memref_slice %arg6[%dma_start3A_256, %dma_start3A_257, %dma_start3A_258] : memref<3x128x128xf32, #tpu.memory_space<vmem>> -> memref<1x128x128xf32, #tpu.memory_space<vmem>>
    %dma_start3A_260 = tpu.memref_squeeze %dma_start3A_259 : memref<1x128x128xf32, #tpu.memory_space<vmem>> -> memref<128x128xf32, #tpu.memory_space<vmem>>
    %dma_start3A_261 = arith.constant 0 : i32
    %dma_start3A_262 = tpu.memref_slice %arg5[%dma_start3A_255, %dma_start3A_261] : memref<3x128xi32, #tpu.memory_space<vmem>> -> memref<1x128xi32, #tpu.memory_space<vmem>>
    %dma_start3A_263 = tpu.memref_squeeze %dma_start3A_262 : memref<1x128xi32, #tpu.memory_space<vmem>> -> memref<128xi32, #tpu.memory_space<vmem>>
    %dma_start3A_264 = arith.constant 0 : i32
    %dma_start3A_265 = arith.constant 0 : i32
    %dma_start3A_266 = tpu.memref_slice %arg3[%dma_start3A_264, %dma_start3A_265] : memref<8192x128xf32, #tpu.memory_space<hbm>> -> memref<8192x128xf32, #tpu.memory_space<hbm>>
    tpu.enqueue_indirect_dma source(%dma_start3A_266 : memref<8192x128xf32, #tpu.memory_space<hbm>>) target(%dma_start3A_260 : memref<128x128xf32, #tpu.memory_space<vmem>>) offsets(%dma_start3A_263 : memref<128xi32, #tpu.memory_space<vmem>>) semaphore(%arg7 : memref<!tpu.dma_semaphore, #tpu.memory_space<semaphore_mem>>)
    %dma_wait3A_267 = arith.constant 0 : i32
    %dma_wait3A_268 = arith.constant 0 : i32
    %dma_wait3A_269 = arith.constant 0 : i32
    %dma_wait3A_270 = arith.constant 0 : i32
    %dma_wait3A_271 = tpu.memref_slice %arg6[%dma_wait3A_268, %dma_wait3A_269, %dma_wait3A_270] : memref<3x128x128xf32, #tpu.memory_space<vmem>> -> memref<1x128x128xf32, #tpu.memory_space<vmem>>
    %dma_wait3A_272 = tpu.memref_squeeze %dma_wait3A_271 : memref<1x128x128xf32, #tpu.memory_space<vmem>> -> memref<128x128xf32, #tpu.memory_space<vmem>>
    %dma_wait3A_273 = arith.constant 0 : i32
    %dma_wait3A_274 = tpu.memref_slice %arg5[%dma_wait3A_267, %dma_wait3A_273] : memref<3x128xi32, #tpu.memory_space<vmem>> -> memref<1x128xi32, #tpu.memory_space<vmem>>
    %dma_wait3A_275 = tpu.memref_squeeze %dma_wait3A_274 : memref<1x128xi32, #tpu.memory_space<vmem>> -> memref<128xi32, #tpu.memory_space<vmem>>
    %dma_wait3A_276 = arith.constant 0 : i32
    %dma_wait3A_277 = arith.constant 0 : i32
    %dma_wait3A_278 = tpu.memref_slice %arg3[%dma_wait3A_276, %dma_wait3A_277] : memref<8192x128xf32, #tpu.memory_space<hbm>> -> memref<8192x128xf32, #tpu.memory_space<hbm>>
    tpu.wait_indirect_dma semaphore(%arg7 : memref<!tpu.dma_semaphore, #tpu.memory_space<semaphore_mem>>) src(%dma_wait3A_278 : memref<8192x128xf32, #tpu.memory_space<hbm>>) dst(%dma_wait3A_272 : memref<128x128xf32, #tpu.memory_space<vmem>>)
    %dma_wait3A_279 = arith.constant 1 : i32
    %dma_wait3A_280 = arith.constant 1 : i32
    %dma_wait3A_281 = arith.constant 0 : i32
    %dma_wait3A_282 = arith.constant 0 : i32
    %dma_wait3A_283 = tpu.memref_slice %arg6[%dma_wait3A_280, %dma_wait3A_281, %dma_wait3A_282] : memref<3x128x128xf32, #tpu.memory_space<vmem>> -> memref<1x128x128xf32, #tpu.memory_space<vmem>>
    %dma_wait3A_284 = tpu.memref_squeeze %dma_wait3A_283 : memref<1x128x128xf32, #tpu.memory_space<vmem>> -> memref<128x128xf32, #tpu.memory_space<vmem>>
    %dma_wait3A_285 = arith.constant 0 : i32
    %dma_wait3A_286 = tpu.memref_slice %arg5[%dma_wait3A_279, %dma_wait3A_285] : memref<3x128xi32, #tpu.memory_space<vmem>> -> memref<1x128xi32, #tpu.memory_space<vmem>>
    %dma_wait3A_287 = tpu.memref_squeeze %dma_wait3A_286 : memref<1x128xi32, #tpu.memory_space<vmem>> -> memref<128xi32, #tpu.memory_space<vmem>>
    %dma_wait3A_288 = arith.constant 0 : i32
    %dma_wait3A_289 = arith.constant 0 : i32
    %dma_wait3A_290 = tpu.memref_slice %arg3[%dma_wait3A_288, %dma_wait3A_289] : memref<8192x128xf32, #tpu.memory_space<hbm>> -> memref<8192x128xf32, #tpu.memory_space<hbm>>
    tpu.wait_indirect_dma semaphore(%arg7 : memref<!tpu.dma_semaphore, #tpu.memory_space<semaphore_mem>>) src(%dma_wait3A_290 : memref<8192x128xf32, #tpu.memory_space<hbm>>) dst(%dma_wait3A_284 : memref<128x128xf32, #tpu.memory_space<vmem>>)
    %dma_wait3A_291 = arith.constant 2 : i32
    %dma_wait3A_292 = arith.constant 2 : i32
    %dma_wait3A_293 = arith.constant 0 : i32
    %dma_wait3A_294 = arith.constant 0 : i32
    %dma_wait3A_295 = tpu.memref_slice %arg6[%dma_wait3A_292, %dma_wait3A_293, %dma_wait3A_294] : memref<3x128x128xf32, #tpu.memory_space<vmem>> -> memref<1x128x128xf32, #tpu.memory_space<vmem>>
    %dma_wait3A_296 = tpu.memref_squeeze %dma_wait3A_295 : memref<1x128x128xf32, #tpu.memory_space<vmem>> -> memref<128x128xf32, #tpu.memory_space<vmem>>
    %dma_wait3A_297 = arith.constant 0 : i32
    %dma_wait3A_298 = tpu.memref_slice %arg5[%dma_wait3A_291, %dma_wait3A_297] : memref<3x128xi32, #tpu.memory_space<vmem>> -> memref<1x128xi32, #tpu.memory_space<vmem>>
    %dma_wait3A_299 = tpu.memref_squeeze %dma_wait3A_298 : memref<1x128xi32, #tpu.memory_space<vmem>> -> memref<128xi32, #tpu.memory_space<vmem>>
    %dma_wait3A_300 = arith.constant 0 : i32
    %dma_wait3A_301 = arith.constant 0 : i32
    %dma_wait3A_302 = tpu.memref_slice %arg3[%dma_wait3A_300, %dma_wait3A_301] : memref<8192x128xf32, #tpu.memory_space<hbm>> -> memref<8192x128xf32, #tpu.memory_space<hbm>>
    tpu.wait_indirect_dma semaphore(%arg7 : memref<!tpu.dma_semaphore, #tpu.memory_space<semaphore_mem>>) src(%dma_wait3A_302 : memref<8192x128xf32, #tpu.memory_space<hbm>>) dst(%dma_wait3A_296 : memref<128x128xf32, #tpu.memory_space<vmem>>)
    "tpu.region"() ({
      %run_scoped3A = tpu.sem_alloc : memref<!tpu.dma_semaphore, #tpu.memory_space<semaphore_mem>>
      %dma_start3A_303 = arith.constant 0 : i32
      %dma_start3A_304 = arith.constant 0 : i32
      %dma_start3A_305 = arith.constant 0 : i32
      %dma_start3A_306 = tpu.memref_slice %arg4[%add3A_230, %dma_start3A_303, %dma_start3A_304, %dma_start3A_305] : memref<128x3x128x128xf32, #tpu.memory_space<hbm>> -> memref<1x3x128x128xf32, #tpu.memory_space<hbm>>
      %dma_start3A_307 = tpu.memref_squeeze %dma_start3A_306 : memref<1x3x128x128xf32, #tpu.memory_space<hbm>> -> memref<3x128x128xf32, #tpu.memory_space<hbm>>
      %dma_start3A_308 = arith.constant 0 : i32
      %dma_start3A_309 = arith.constant 0 : i32
      %dma_start3A_310 = arith.constant 0 : i32
      %dma_start3A_311 = tpu.memref_slice %arg4[%add3A_230, %dma_start3A_308, %dma_start3A_309, %dma_start3A_310] : memref<128x3x128x128xf32, #tpu.memory_space<hbm>> -> memref<1x3x128x128xf32, #tpu.memory_space<hbm>>
      %dma_start3A_312 = tpu.memref_squeeze %dma_start3A_311 : memref<1x3x128x128xf32, #tpu.memory_space<hbm>> -> memref<3x128x128xf32, #tpu.memory_space<hbm>>
      tpu.enqueue_dma source(%arg6 : memref<3x128x128xf32, #tpu.memory_space<vmem>>) target(%dma_start3A_312 : memref<3x128x128xf32, #tpu.memory_space<hbm>>) target_semaphore(%run_scoped3A : memref<!tpu.dma_semaphore, #tpu.memory_space<semaphore_mem>>)
      %dma_wait3A_313 = arith.constant 0 : i32
      %dma_wait3A_314 = arith.constant 0 : i32
      %dma_wait3A_315 = arith.constant 0 : i32
      %dma_wait3A_316 = tpu.memref_slice %arg4[%add3A_230, %dma_wait3A_313, %dma_wait3A_314, %dma_wait3A_315] : memref<128x3x128x128xf32, #tpu.memory_space<hbm>> -> memref<1x3x128x128xf32, #tpu.memory_space<hbm>>
      %dma_wait3A_317 = tpu.memref_squeeze %dma_wait3A_316 : memref<1x3x128x128xf32, #tpu.memory_space<hbm>> -> memref<3x128x128xf32, #tpu.memory_space<hbm>>
      %dma_wait3A_318 = arith.constant 0 : i32
      %dma_wait3A_319 = arith.constant 0 : i32
      %dma_wait3A_320 = arith.constant 0 : i32
      %dma_wait3A_321 = tpu.memref_slice %arg4[%add3A_230, %dma_wait3A_318, %dma_wait3A_319, %dma_wait3A_320] : memref<128x3x128x128xf32, #tpu.memory_space<hbm>> -> memref<1x3x128x128xf32, #tpu.memory_space<hbm>>
      %dma_wait3A_322 = tpu.memref_squeeze %dma_wait3A_321 : memref<1x3x128x128xf32, #tpu.memory_space<hbm>> -> memref<3x128x128xf32, #tpu.memory_space<hbm>>
      tpu.wait_dma2 semaphore(%run_scoped3A : memref<!tpu.dma_semaphore, #tpu.memory_space<semaphore_mem>>) src(%arg6 : memref<3x128x128xf32, #tpu.memory_space<vmem>>) dst(%dma_wait3A_322 : memref<3x128x128xf32, #tpu.memory_space<hbm>>)
      tpu.yield
    }) : () -> ()
    return
  }
}

module attributes {stable_mosaic.version = 14 : i64} {
  func.func @_nn_kernel(%arg0: i32, %arg1: i32, %arg2: memref<3x128xf32, #tpu.memory_space<vmem>>, %arg3: memref<1x4x1x7xf32, #tpu.memory_space<vmem>>, %arg4: memref<1x4096x3xf32, #tpu.memory_space<vmem>>, %arg5: memref<1x4x3x128xi32, #tpu.memory_space<vmem>>, %arg6: memref<1x4x3x128xf32, #tpu.memory_space<vmem>>) attributes {dimension_semantics = [#tpu.dimension_semantics<arbitrary>, #tpu.dimension_semantics<arbitrary>], iteration_bounds = array<i64: 2, 16>, scalar_prefetch = 0 : i64, scratch_operands = 0 : i64, tpu.core_type = #tpu.core_type<tc>, window_params = [{pipeline_mode = #tpu.pipeline_mode<synchronous>, transform_indices = @transform_0, window_bounds = array<i64: 3, 128>}, {transform_indices = @transform_1, window_bounds = array<i64: 1, 4, 1, 7>}, {transform_indices = @transform_2, window_bounds = array<i64: 1, 4096, 3>}, {transform_indices = @transform_3, window_bounds = array<i64: 1, 4, 3, 128>}, {transform_indices = @transform_4, window_bounds = array<i64: 1, 4, 3, 128>}]} {
    %get3A = arith.constant 0 : index
    %get3A_0 = arith.constant 0 : index
    %get3A_1 = vector.load %arg2[%get3A, %get3A_0] : memref<3x128xf32, #tpu.memory_space<vmem>>, vector<3x128xf32>
    %get3A_2 = arith.constant 0 : index
    %get3A_3 = arith.constant 0 : index
    %get3A_4 = arith.constant 0 : index
    %get3A_5 = vector.load %arg4[%get3A_2, %get3A_3, %get3A_4] : memref<1x4096x3xf32, #tpu.memory_space<vmem>>, vector<1x4096x3xf32>
    %get3A_6 = vector.shape_cast %get3A_5 : vector<1x4096x3xf32> to vector<4096x3xf32>
    %mul3A = arith.mulf %get3A_6, %get3A_6 : vector<4096x3xf32>
    %reduce_sum3A = arith.constant dense<0.000000e+00> : vector<4096xf32>
    %reduce_sum3A_7 = vector.multi_reduction <add>, %mul3A, %reduce_sum3A [1] : vector<4096x3xf32> to vector<4096xf32>
    %broadcast_in_dim3A = vector.shape_cast %reduce_sum3A_7 : vector<4096xf32> to vector<4096x1xf32>
    %iota3A = tpu.iota {dimensions = array<i32: 0>} : vector<4096x128xi32>
    %mul3A_8 = arith.constant 4096 : i32
    %mul3A_9 = arith.muli %arg0, %mul3A_8 : i32
    %get3A_10 = arith.constant 0 : index
    %get3A_11 = arith.constant 0 : index
    %get3A_12 = arith.constant 0 : index
    %get3A_13 = arith.constant 0 : index
    %get3A_14 = vector.load %arg3[%get3A_10, %get3A_11, %get3A_12, %get3A_13] : memref<1x4x1x7xf32, #tpu.memory_space<vmem>>, vector<1x1x1x7xf32>
    %get3A_15 = vector.shape_cast %get3A_14 : vector<1x1x1x7xf32> to vector<1x7xf32>
    %slice3A = vector.extract_strided_slice %get3A_15 {offsets = [0, 2], sizes = [1, 1], strides = [1, 1]} : vector<1x7xf32> to vector<1x1xf32>
    %slice3A_16 = vector.extract_strided_slice %get3A_15 {offsets = [0, 5], sizes = [1, 1], strides = [1, 1]} : vector<1x7xf32> to vector<1x1xf32>
    %mul3A_17 = arith.constant 5.000000e-01 : f32
    %mul3A_18 = vector.broadcast %mul3A_17 : f32 to vector<1x1xf32>
    %mul3A_19 = arith.mulf %mul3A_18, %slice3A_16 : vector<1x1xf32>
    %add3A = arith.addf %slice3A, %mul3A_19 : vector<1x1xf32>
    %slice3A_20 = vector.extract_strided_slice %get3A_1 {offsets = [0, 0], sizes = [1, 128], strides = [1, 1]} : vector<3x128xf32> to vector<1x128xf32>
    %slice3A_21 = vector.extract_strided_slice %get3A_15 {offsets = [0, 3], sizes = [1, 1], strides = [1, 1]} : vector<1x7xf32> to vector<1x1xf32>
    %mul3A_22 = vector.broadcast %slice3A_21 : vector<1x1xf32> to vector<1x128xf32>
    %mul3A_23 = arith.mulf %slice3A_20, %mul3A_22 : vector<1x128xf32>
    %slice3A_24 = vector.extract_strided_slice %get3A_15 {offsets = [0, 0], sizes = [1, 1], strides = [1, 1]} : vector<1x7xf32> to vector<1x1xf32>
    %add3A_25 = vector.broadcast %slice3A_24 : vector<1x1xf32> to vector<1x128xf32>
    %add3A_26 = arith.addf %mul3A_23, %add3A_25 : vector<1x128xf32>
    %slice3A_27 = vector.extract_strided_slice %get3A_1 {offsets = [1, 0], sizes = [1, 128], strides = [1, 1]} : vector<3x128xf32> to vector<1x128xf32>
    %slice3A_28 = vector.extract_strided_slice %get3A_15 {offsets = [0, 4], sizes = [1, 1], strides = [1, 1]} : vector<1x7xf32> to vector<1x1xf32>
    %mul3A_29 = vector.broadcast %slice3A_28 : vector<1x1xf32> to vector<1x128xf32>
    %mul3A_30 = arith.mulf %slice3A_27, %mul3A_29 : vector<1x128xf32>
    %slice3A_31 = vector.extract_strided_slice %get3A_15 {offsets = [0, 1], sizes = [1, 1], strides = [1, 1]} : vector<1x7xf32> to vector<1x1xf32>
    %add3A_32 = vector.broadcast %slice3A_31 : vector<1x1xf32> to vector<1x128xf32>
    %add3A_33 = arith.addf %mul3A_30, %add3A_32 : vector<1x128xf32>
    %slice3A_34 = vector.extract_strided_slice %get3A_1 {offsets = [2, 0], sizes = [1, 128], strides = [1, 1]} : vector<3x128xf32> to vector<1x128xf32>
    %slice3A_35 = vector.extract_strided_slice %get3A_15 {offsets = [0, 5], sizes = [1, 1], strides = [1, 1]} : vector<1x7xf32> to vector<1x1xf32>
    %mul3A_36 = vector.broadcast %slice3A_35 : vector<1x1xf32> to vector<1x128xf32>
    %mul3A_37 = arith.mulf %slice3A_34, %mul3A_36 : vector<1x128xf32>
    %add3A_38 = vector.broadcast %add3A : vector<1x1xf32> to vector<1x128xf32>
    %add3A_39 = arith.addf %mul3A_37, %add3A_38 : vector<1x128xf32>
    %concatenate3A = tpu.concatenate %add3A_26, %add3A_33, %add3A_39 in 0 : vector<1x128xf32>, vector<1x128xf32>, vector<1x128xf32> -> vector<3x128xf32>
    %dot_general3A = arith.constant dense<0.000000e+00> : vector<4096x128xf32>
    %dot_general3A_40 = tpu.matmul %get3A_6, %concatenate3A, %dot_general3A {dimension_numbers = #tpu.dot_dimension_numbers<[1], [0], [0], [1], [0, 0, 1, 1], [], []>, transpose_lhs_hint = false} : vector<4096x3xf32>, vector<3x128xf32>, vector<4096x128xf32> -> vector<4096x128xf32>
    %mul3A_41 = arith.mulf %concatenate3A, %concatenate3A : vector<3x128xf32>
    %reduce_sum3A_42 = arith.constant dense<0.000000e+00> : vector<128xf32>
    %reduce_sum3A_43 = vector.multi_reduction <add>, %mul3A_41, %reduce_sum3A_42 [0] : vector<3x128xf32> to vector<128xf32>
    %broadcast_in_dim3A_44 = vector.shape_cast %reduce_sum3A_43 : vector<128xf32> to vector<1x128xf32>
    %mul3A_45 = arith.constant 2.000000e+00 : f32
    %mul3A_46 = vector.broadcast %mul3A_45 : f32 to vector<4096x128xf32>
    %mul3A_47 = arith.mulf %mul3A_46, %dot_general3A_40 : vector<4096x128xf32>
    %sub3A = vector.broadcast %broadcast_in_dim3A_44 : vector<1x128xf32> to vector<4096x128xf32>
    %sub3A_48 = arith.subf %sub3A, %mul3A_47 : vector<4096x128xf32>
    %add3A_49 = vector.broadcast %broadcast_in_dim3A : vector<4096x1xf32> to vector<4096x128xf32>
    %add3A_50 = arith.addf %sub3A_48, %add3A_49 : vector<4096x128xf32>
    %reduce_min3A = arith.constant dense<0x7F800000> : vector<128xf32>
    %reduce_min3A_51 = vector.multi_reduction <minimumf>, %add3A_50, %reduce_min3A [0] : vector<4096x128xf32> to vector<128xf32>
    %broadcast_in_dim3A_52 = vector.shape_cast %reduce_min3A_51 : vector<128xf32> to vector<1x128xf32>
    %eq3A = vector.broadcast %broadcast_in_dim3A_52 : vector<1x128xf32> to vector<4096x128xf32>
    %eq3A_53 = arith.cmpf oeq, %add3A_50, %eq3A : vector<4096x128xf32>
    %jit3A = arith.constant 4096 : i32
    %broadcast_in_dim3A_54 = vector.broadcast %jit3A : i32 to vector<4096x128xi32>
    %select_n3A = arith.select %eq3A_53, %iota3A, %broadcast_in_dim3A_54 : vector<4096x128xi1>, vector<4096x128xi32>
    %reduce_min3A_55 = arith.constant dense<2147483647> : vector<128xi32>
    %reduce_min3A_56 = vector.multi_reduction <minsi>, %select_n3A, %reduce_min3A_55 [0] : vector<4096x128xi32> to vector<128xi32>
    %broadcast_in_dim3A_57 = vector.shape_cast %reduce_min3A_56 : vector<128xi32> to vector<1x128xi32>
    %max3A = arith.constant 0.000000e+00 : f32
    %max3A_58 = vector.broadcast %max3A : f32 to vector<1x128xf32>
    %max3A_59 = arith.maximumf %broadcast_in_dim3A_52, %max3A_58 : vector<1x128xf32>
    %sqrt3A = math.sqrt %max3A_59 : vector<1x128xf32>
    %add3A_60 = arith.constant 9.99999993E-9 : f32
    %add3A_61 = vector.broadcast %add3A_60 : f32 to vector<1x128xf32>
    %add3A_62 = arith.addf %sqrt3A, %add3A_61 : vector<1x128xf32>
    %div3A = arith.constant 1.000000e+00 : f32
    %div3A_63 = vector.broadcast %div3A : f32 to vector<1x128xf32>
    %div3A_64 = arith.divf %div3A_63, %add3A_62 : vector<1x128xf32>
    %eq3A_65 = vector.broadcast %broadcast_in_dim3A_57 : vector<1x128xi32> to vector<4096x128xi32>
    %eq3A_66 = arith.cmpi eq, %iota3A, %eq3A_65 : vector<4096x128xi32>
    %jit3A_67 = arith.constant 0x7F800000 : f32
    %broadcast_in_dim3A_68 = vector.broadcast %jit3A_67 : f32 to vector<4096x128xf32>
    %select_n3A_69 = arith.select %eq3A_66, %broadcast_in_dim3A_68, %add3A_50 : vector<4096x128xi1>, vector<4096x128xf32>
    %reduce_min3A_70 = arith.constant dense<0x7F800000> : vector<128xf32>
    %reduce_min3A_71 = vector.multi_reduction <minimumf>, %select_n3A_69, %reduce_min3A_70 [0] : vector<4096x128xf32> to vector<128xf32>
    %broadcast_in_dim3A_72 = vector.shape_cast %reduce_min3A_71 : vector<128xf32> to vector<1x128xf32>
    %eq3A_73 = vector.broadcast %broadcast_in_dim3A_72 : vector<1x128xf32> to vector<4096x128xf32>
    %eq3A_74 = arith.cmpf oeq, %select_n3A_69, %eq3A_73 : vector<4096x128xf32>
    %jit3A_75 = arith.constant 4096 : i32
    %broadcast_in_dim3A_76 = vector.broadcast %jit3A_75 : i32 to vector<4096x128xi32>
    %select_n3A_77 = arith.select %eq3A_74, %iota3A, %broadcast_in_dim3A_76 : vector<4096x128xi1>, vector<4096x128xi32>
    %reduce_min3A_78 = arith.constant dense<2147483647> : vector<128xi32>
    %reduce_min3A_79 = vector.multi_reduction <minsi>, %select_n3A_77, %reduce_min3A_78 [0] : vector<4096x128xi32> to vector<128xi32>
    %broadcast_in_dim3A_80 = vector.shape_cast %reduce_min3A_79 : vector<128xi32> to vector<1x128xi32>
    %max3A_81 = arith.constant 0.000000e+00 : f32
    %max3A_82 = vector.broadcast %max3A_81 : f32 to vector<1x128xf32>
    %max3A_83 = arith.maximumf %broadcast_in_dim3A_72, %max3A_82 : vector<1x128xf32>
    %sqrt3A_84 = math.sqrt %max3A_83 : vector<1x128xf32>
    %add3A_85 = arith.constant 9.99999993E-9 : f32
    %add3A_86 = vector.broadcast %add3A_85 : f32 to vector<1x128xf32>
    %add3A_87 = arith.addf %sqrt3A_84, %add3A_86 : vector<1x128xf32>
    %div3A_88 = arith.constant 1.000000e+00 : f32
    %div3A_89 = vector.broadcast %div3A_88 : f32 to vector<1x128xf32>
    %div3A_90 = arith.divf %div3A_89, %add3A_87 : vector<1x128xf32>
    %eq3A_91 = vector.broadcast %broadcast_in_dim3A_80 : vector<1x128xi32> to vector<4096x128xi32>
    %eq3A_92 = arith.cmpi eq, %iota3A, %eq3A_91 : vector<4096x128xi32>
    %jit3A_93 = arith.constant 0x7F800000 : f32
    %broadcast_in_dim3A_94 = vector.broadcast %jit3A_93 : f32 to vector<4096x128xf32>
    %select_n3A_95 = arith.select %eq3A_92, %broadcast_in_dim3A_94, %select_n3A_69 : vector<4096x128xi1>, vector<4096x128xf32>
    %reduce_min3A_96 = arith.constant dense<0x7F800000> : vector<128xf32>
    %reduce_min3A_97 = vector.multi_reduction <minimumf>, %select_n3A_95, %reduce_min3A_96 [0] : vector<4096x128xf32> to vector<128xf32>
    %broadcast_in_dim3A_98 = vector.shape_cast %reduce_min3A_97 : vector<128xf32> to vector<1x128xf32>
    %eq3A_99 = vector.broadcast %broadcast_in_dim3A_98 : vector<1x128xf32> to vector<4096x128xf32>
    %eq3A_100 = arith.cmpf oeq, %select_n3A_95, %eq3A_99 : vector<4096x128xf32>
    %jit3A_101 = arith.constant 4096 : i32
    %broadcast_in_dim3A_102 = vector.broadcast %jit3A_101 : i32 to vector<4096x128xi32>
    %select_n3A_103 = arith.select %eq3A_100, %iota3A, %broadcast_in_dim3A_102 : vector<4096x128xi1>, vector<4096x128xi32>
    %reduce_min3A_104 = arith.constant dense<2147483647> : vector<128xi32>
    %reduce_min3A_105 = vector.multi_reduction <minsi>, %select_n3A_103, %reduce_min3A_104 [0] : vector<4096x128xi32> to vector<128xi32>
    %broadcast_in_dim3A_106 = vector.shape_cast %reduce_min3A_105 : vector<128xi32> to vector<1x128xi32>
    %max3A_107 = arith.constant 0.000000e+00 : f32
    %max3A_108 = vector.broadcast %max3A_107 : f32 to vector<1x128xf32>
    %max3A_109 = arith.maximumf %broadcast_in_dim3A_98, %max3A_108 : vector<1x128xf32>
    %sqrt3A_110 = math.sqrt %max3A_109 : vector<1x128xf32>
    %add3A_111 = arith.constant 9.99999993E-9 : f32
    %add3A_112 = vector.broadcast %add3A_111 : f32 to vector<1x128xf32>
    %add3A_113 = arith.addf %sqrt3A_110, %add3A_112 : vector<1x128xf32>
    %div3A_114 = arith.constant 1.000000e+00 : f32
    %div3A_115 = vector.broadcast %div3A_114 : f32 to vector<1x128xf32>
    %div3A_116 = arith.divf %div3A_115, %add3A_113 : vector<1x128xf32>
    %add3A_117 = arith.addf %div3A_64, %div3A_90 : vector<1x128xf32>
    %add3A_118 = arith.addf %add3A_117, %div3A_116 : vector<1x128xf32>
    %concatenate3A_119 = tpu.concatenate %broadcast_in_dim3A_57, %broadcast_in_dim3A_80, %broadcast_in_dim3A_106 in 0 : vector<1x128xi32>, vector<1x128xi32>, vector<1x128xi32> -> vector<3x128xi32>
    %add3A_120 = vector.broadcast %mul3A_9 : i32 to vector<3x128xi32>
    %add3A_121 = arith.addi %concatenate3A_119, %add3A_120 : vector<3x128xi32>
    %swap3A = arith.constant 0 : index
    %swap3A_122 = arith.constant 0 : index
    %swap3A_123 = arith.constant 0 : index
    %swap3A_124 = arith.constant 0 : index
    %swap3A_125 = vector.load %arg5[%swap3A, %swap3A_122, %swap3A_123, %swap3A_124] : memref<1x4x3x128xi32, #tpu.memory_space<vmem>>, vector<1x1x3x128xi32>
    %swap3A_126 = vector.shape_cast %swap3A_125 : vector<1x1x3x128xi32> to vector<3x128xi32>
    %swap3A_127 = vector.shape_cast %add3A_121 : vector<3x128xi32> to vector<1x1x3x128xi32>
    tpu.vector_store %arg5[%swap3A, %swap3A_122, %swap3A_123, %swap3A_124], %swap3A_127 {strides = array<i32>} : memref<1x4x3x128xi32, #tpu.memory_space<vmem>>, vector<1x1x3x128xi32>,
    %div3A_128 = arith.divf %div3A_64, %add3A_118 : vector<1x128xf32>
    %div3A_129 = arith.divf %div3A_90, %add3A_118 : vector<1x128xf32>
    %div3A_130 = arith.divf %div3A_116, %add3A_118 : vector<1x128xf32>
    %concatenate3A_131 = tpu.concatenate %div3A_128, %div3A_129, %div3A_130 in 0 : vector<1x128xf32>, vector<1x128xf32>, vector<1x128xf32> -> vector<3x128xf32>
    %swap3A_132 = arith.constant 0 : index
    %swap3A_133 = arith.constant 0 : index
    %swap3A_134 = arith.constant 0 : index
    %swap3A_135 = arith.constant 0 : index
    %swap3A_136 = vector.load %arg6[%swap3A_132, %swap3A_133, %swap3A_134, %swap3A_135] : memref<1x4x3x128xf32, #tpu.memory_space<vmem>>, vector<1x1x3x128xf32>
    %swap3A_137 = vector.shape_cast %swap3A_136 : vector<1x1x3x128xf32> to vector<3x128xf32>
    %swap3A_138 = vector.shape_cast %concatenate3A_131 : vector<3x128xf32> to vector<1x1x3x128xf32>
    tpu.vector_store %arg6[%swap3A_132, %swap3A_133, %swap3A_134, %swap3A_135], %swap3A_138 {strides = array<i32>} : memref<1x4x3x128xf32, #tpu.memory_space<vmem>>, vector<1x1x3x128xf32>,
    %get3A_139 = arith.constant 0 : index
    %get3A_140 = arith.constant 1 : index
    %get3A_141 = arith.constant 0 : index
    %get3A_142 = arith.constant 0 : index
    %get3A_143 = vector.load %arg3[%get3A_139, %get3A_140, %get3A_141, %get3A_142] : memref<1x4x1x7xf32, #tpu.memory_space<vmem>>, vector<1x1x1x7xf32>
    %get3A_144 = vector.shape_cast %get3A_143 : vector<1x1x1x7xf32> to vector<1x7xf32>
    %slice3A_145 = vector.extract_strided_slice %get3A_144 {offsets = [0, 2], sizes = [1, 1], strides = [1, 1]} : vector<1x7xf32> to vector<1x1xf32>
    %slice3A_146 = vector.extract_strided_slice %get3A_144 {offsets = [0, 5], sizes = [1, 1], strides = [1, 1]} : vector<1x7xf32> to vector<1x1xf32>
    %mul3A_147 = arith.constant 5.000000e-01 : f32
    %mul3A_148 = vector.broadcast %mul3A_147 : f32 to vector<1x1xf32>
    %mul3A_149 = arith.mulf %mul3A_148, %slice3A_146 : vector<1x1xf32>
    %add3A_150 = arith.addf %slice3A_145, %mul3A_149 : vector<1x1xf32>
    %slice3A_151 = vector.extract_strided_slice %get3A_1 {offsets = [0, 0], sizes = [1, 128], strides = [1, 1]} : vector<3x128xf32> to vector<1x128xf32>
    %slice3A_152 = vector.extract_strided_slice %get3A_144 {offsets = [0, 3], sizes = [1, 1], strides = [1, 1]} : vector<1x7xf32> to vector<1x1xf32>
    %mul3A_153 = vector.broadcast %slice3A_152 : vector<1x1xf32> to vector<1x128xf32>
    %mul3A_154 = arith.mulf %slice3A_151, %mul3A_153 : vector<1x128xf32>
    %slice3A_155 = vector.extract_strided_slice %get3A_144 {offsets = [0, 0], sizes = [1, 1], strides = [1, 1]} : vector<1x7xf32> to vector<1x1xf32>
    %add3A_156 = vector.broadcast %slice3A_155 : vector<1x1xf32> to vector<1x128xf32>
    %add3A_157 = arith.addf %mul3A_154, %add3A_156 : vector<1x128xf32>
    %slice3A_158 = vector.extract_strided_slice %get3A_1 {offsets = [1, 0], sizes = [1, 128], strides = [1, 1]} : vector<3x128xf32> to vector<1x128xf32>
    %slice3A_159 = vector.extract_strided_slice %get3A_144 {offsets = [0, 4], sizes = [1, 1], strides = [1, 1]} : vector<1x7xf32> to vector<1x1xf32>
    %mul3A_160 = vector.broadcast %slice3A_159 : vector<1x1xf32> to vector<1x128xf32>
    %mul3A_161 = arith.mulf %slice3A_158, %mul3A_160 : vector<1x128xf32>
    %slice3A_162 = vector.extract_strided_slice %get3A_144 {offsets = [0, 1], sizes = [1, 1], strides = [1, 1]} : vector<1x7xf32> to vector<1x1xf32>
    %add3A_163 = vector.broadcast %slice3A_162 : vector<1x1xf32> to vector<1x128xf32>
    %add3A_164 = arith.addf %mul3A_161, %add3A_163 : vector<1x128xf32>
    %slice3A_165 = vector.extract_strided_slice %get3A_1 {offsets = [2, 0], sizes = [1, 128], strides = [1, 1]} : vector<3x128xf32> to vector<1x128xf32>
    %slice3A_166 = vector.extract_strided_slice %get3A_144 {offsets = [0, 5], sizes = [1, 1], strides = [1, 1]} : vector<1x7xf32> to vector<1x1xf32>
    %mul3A_167 = vector.broadcast %slice3A_166 : vector<1x1xf32> to vector<1x128xf32>
    %mul3A_168 = arith.mulf %slice3A_165, %mul3A_167 : vector<1x128xf32>
    %add3A_169 = vector.broadcast %add3A_150 : vector<1x1xf32> to vector<1x128xf32>
    %add3A_170 = arith.addf %mul3A_168, %add3A_169 : vector<1x128xf32>
    %concatenate3A_171 = tpu.concatenate %add3A_157, %add3A_164, %add3A_170 in 0 : vector<1x128xf32>, vector<1x128xf32>, vector<1x128xf32> -> vector<3x128xf32>
    %dot_general3A_172 = arith.constant dense<0.000000e+00> : vector<4096x128xf32>
    %dot_general3A_173 = tpu.matmul %get3A_6, %concatenate3A_171, %dot_general3A_172 {dimension_numbers = #tpu.dot_dimension_numbers<[1], [0], [0], [1], [0, 0, 1, 1], [], []>, transpose_lhs_hint = false} : vector<4096x3xf32>, vector<3x128xf32>, vector<4096x128xf32> -> vector<4096x128xf32>
    %mul3A_174 = arith.mulf %concatenate3A_171, %concatenate3A_171 : vector<3x128xf32>
    %reduce_sum3A_175 = arith.constant dense<0.000000e+00> : vector<128xf32>
    %reduce_sum3A_176 = vector.multi_reduction <add>, %mul3A_174, %reduce_sum3A_175 [0] : vector<3x128xf32> to vector<128xf32>
    %broadcast_in_dim3A_177 = vector.shape_cast %reduce_sum3A_176 : vector<128xf32> to vector<1x128xf32>
    %mul3A_178 = arith.constant 2.000000e+00 : f32
    %mul3A_179 = vector.broadcast %mul3A_178 : f32 to vector<4096x128xf32>
    %mul3A_180 = arith.mulf %mul3A_179, %dot_general3A_173 : vector<4096x128xf32>
    %sub3A_181 = vector.broadcast %broadcast_in_dim3A_177 : vector<1x128xf32> to vector<4096x128xf32>
    %sub3A_182 = arith.subf %sub3A_181, %mul3A_180 : vector<4096x128xf32>
    %add3A_183 = vector.broadcast %broadcast_in_dim3A : vector<4096x1xf32> to vector<4096x128xf32>
    %add3A_184 = arith.addf %sub3A_182, %add3A_183 : vector<4096x128xf32>
    %reduce_min3A_185 = arith.constant dense<0x7F800000> : vector<128xf32>
    %reduce_min3A_186 = vector.multi_reduction <minimumf>, %add3A_184, %reduce_min3A_185 [0] : vector<4096x128xf32> to vector<128xf32>
    %broadcast_in_dim3A_187 = vector.shape_cast %reduce_min3A_186 : vector<128xf32> to vector<1x128xf32>
    %eq3A_188 = vector.broadcast %broadcast_in_dim3A_187 : vector<1x128xf32> to vector<4096x128xf32>
    %eq3A_189 = arith.cmpf oeq, %add3A_184, %eq3A_188 : vector<4096x128xf32>
    %jit3A_190 = arith.constant 4096 : i32
    %broadcast_in_dim3A_191 = vector.broadcast %jit3A_190 : i32 to vector<4096x128xi32>
    %select_n3A_192 = arith.select %eq3A_189, %iota3A, %broadcast_in_dim3A_191 : vector<4096x128xi1>, vector<4096x128xi32>
    %reduce_min3A_193 = arith.constant dense<2147483647> : vector<128xi32>
    %reduce_min3A_194 = vector.multi_reduction <minsi>, %select_n3A_192, %reduce_min3A_193 [0] : vector<4096x128xi32> to vector<128xi32>
    %broadcast_in_dim3A_195 = vector.shape_cast %reduce_min3A_194 : vector<128xi32> to vector<1x128xi32>
    %max3A_196 = arith.constant 0.000000e+00 : f32
    %max3A_197 = vector.broadcast %max3A_196 : f32 to vector<1x128xf32>
    %max3A_198 = arith.maximumf %broadcast_in_dim3A_187, %max3A_197 : vector<1x128xf32>
    %sqrt3A_199 = math.sqrt %max3A_198 : vector<1x128xf32>
    %add3A_200 = arith.constant 9.99999993E-9 : f32
    %add3A_201 = vector.broadcast %add3A_200 : f32 to vector<1x128xf32>
    %add3A_202 = arith.addf %sqrt3A_199, %add3A_201 : vector<1x128xf32>
    %div3A_203 = arith.constant 1.000000e+00 : f32
    %div3A_204 = vector.broadcast %div3A_203 : f32 to vector<1x128xf32>
    %div3A_205 = arith.divf %div3A_204, %add3A_202 : vector<1x128xf32>
    %eq3A_206 = vector.broadcast %broadcast_in_dim3A_195 : vector<1x128xi32> to vector<4096x128xi32>
    %eq3A_207 = arith.cmpi eq, %iota3A, %eq3A_206 : vector<4096x128xi32>
    %jit3A_208 = arith.constant 0x7F800000 : f32
    %broadcast_in_dim3A_209 = vector.broadcast %jit3A_208 : f32 to vector<4096x128xf32>
    %select_n3A_210 = arith.select %eq3A_207, %broadcast_in_dim3A_209, %add3A_184 : vector<4096x128xi1>, vector<4096x128xf32>
    %reduce_min3A_211 = arith.constant dense<0x7F800000> : vector<128xf32>
    %reduce_min3A_212 = vector.multi_reduction <minimumf>, %select_n3A_210, %reduce_min3A_211 [0] : vector<4096x128xf32> to vector<128xf32>
    %broadcast_in_dim3A_213 = vector.shape_cast %reduce_min3A_212 : vector<128xf32> to vector<1x128xf32>
    %eq3A_214 = vector.broadcast %broadcast_in_dim3A_213 : vector<1x128xf32> to vector<4096x128xf32>
    %eq3A_215 = arith.cmpf oeq, %select_n3A_210, %eq3A_214 : vector<4096x128xf32>
    %jit3A_216 = arith.constant 4096 : i32
    %broadcast_in_dim3A_217 = vector.broadcast %jit3A_216 : i32 to vector<4096x128xi32>
    %select_n3A_218 = arith.select %eq3A_215, %iota3A, %broadcast_in_dim3A_217 : vector<4096x128xi1>, vector<4096x128xi32>
    %reduce_min3A_219 = arith.constant dense<2147483647> : vector<128xi32>
    %reduce_min3A_220 = vector.multi_reduction <minsi>, %select_n3A_218, %reduce_min3A_219 [0] : vector<4096x128xi32> to vector<128xi32>
    %broadcast_in_dim3A_221 = vector.shape_cast %reduce_min3A_220 : vector<128xi32> to vector<1x128xi32>
    %max3A_222 = arith.constant 0.000000e+00 : f32
    %max3A_223 = vector.broadcast %max3A_222 : f32 to vector<1x128xf32>
    %max3A_224 = arith.maximumf %broadcast_in_dim3A_213, %max3A_223 : vector<1x128xf32>
    %sqrt3A_225 = math.sqrt %max3A_224 : vector<1x128xf32>
    %add3A_226 = arith.constant 9.99999993E-9 : f32
    %add3A_227 = vector.broadcast %add3A_226 : f32 to vector<1x128xf32>
    %add3A_228 = arith.addf %sqrt3A_225, %add3A_227 : vector<1x128xf32>
    %div3A_229 = arith.constant 1.000000e+00 : f32
    %div3A_230 = vector.broadcast %div3A_229 : f32 to vector<1x128xf32>
    %div3A_231 = arith.divf %div3A_230, %add3A_228 : vector<1x128xf32>
    %eq3A_232 = vector.broadcast %broadcast_in_dim3A_221 : vector<1x128xi32> to vector<4096x128xi32>
    %eq3A_233 = arith.cmpi eq, %iota3A, %eq3A_232 : vector<4096x128xi32>
    %jit3A_234 = arith.constant 0x7F800000 : f32
    %broadcast_in_dim3A_235 = vector.broadcast %jit3A_234 : f32 to vector<4096x128xf32>
    %select_n3A_236 = arith.select %eq3A_233, %broadcast_in_dim3A_235, %select_n3A_210 : vector<4096x128xi1>, vector<4096x128xf32>
    %reduce_min3A_237 = arith.constant dense<0x7F800000> : vector<128xf32>
    %reduce_min3A_238 = vector.multi_reduction <minimumf>, %select_n3A_236, %reduce_min3A_237 [0] : vector<4096x128xf32> to vector<128xf32>
    %broadcast_in_dim3A_239 = vector.shape_cast %reduce_min3A_238 : vector<128xf32> to vector<1x128xf32>
    %eq3A_240 = vector.broadcast %broadcast_in_dim3A_239 : vector<1x128xf32> to vector<4096x128xf32>
    %eq3A_241 = arith.cmpf oeq, %select_n3A_236, %eq3A_240 : vector<4096x128xf32>
    %jit3A_242 = arith.constant 4096 : i32
    %broadcast_in_dim3A_243 = vector.broadcast %jit3A_242 : i32 to vector<4096x128xi32>
    %select_n3A_244 = arith.select %eq3A_241, %iota3A, %broadcast_in_dim3A_243 : vector<4096x128xi1>, vector<4096x128xi32>
    %reduce_min3A_245 = arith.constant dense<2147483647> : vector<128xi32>
    %reduce_min3A_246 = vector.multi_reduction <minsi>, %select_n3A_244, %reduce_min3A_245 [0] : vector<4096x128xi32> to vector<128xi32>
    %broadcast_in_dim3A_247 = vector.shape_cast %reduce_min3A_246 : vector<128xi32> to vector<1x128xi32>
    %max3A_248 = arith.constant 0.000000e+00 : f32
    %max3A_249 = vector.broadcast %max3A_248 : f32 to vector<1x128xf32>
    %max3A_250 = arith.maximumf %broadcast_in_dim3A_239, %max3A_249 : vector<1x128xf32>
    %sqrt3A_251 = math.sqrt %max3A_250 : vector<1x128xf32>
    %add3A_252 = arith.constant 9.99999993E-9 : f32
    %add3A_253 = vector.broadcast %add3A_252 : f32 to vector<1x128xf32>
    %add3A_254 = arith.addf %sqrt3A_251, %add3A_253 : vector<1x128xf32>
    %div3A_255 = arith.constant 1.000000e+00 : f32
    %div3A_256 = vector.broadcast %div3A_255 : f32 to vector<1x128xf32>
    %div3A_257 = arith.divf %div3A_256, %add3A_254 : vector<1x128xf32>
    %add3A_258 = arith.addf %div3A_205, %div3A_231 : vector<1x128xf32>
    %add3A_259 = arith.addf %add3A_258, %div3A_257 : vector<1x128xf32>
    %concatenate3A_260 = tpu.concatenate %broadcast_in_dim3A_195, %broadcast_in_dim3A_221, %broadcast_in_dim3A_247 in 0 : vector<1x128xi32>, vector<1x128xi32>, vector<1x128xi32> -> vector<3x128xi32>
    %add3A_261 = vector.broadcast %mul3A_9 : i32 to vector<3x128xi32>
    %add3A_262 = arith.addi %concatenate3A_260, %add3A_261 : vector<3x128xi32>
    %swap3A_263 = arith.constant 0 : index
    %swap3A_264 = arith.constant 1 : index
    %swap3A_265 = arith.constant 0 : index
    %swap3A_266 = arith.constant 0 : index
    %swap3A_267 = vector.load %arg5[%swap3A_263, %swap3A_264, %swap3A_265, %swap3A_266] : memref<1x4x3x128xi32, #tpu.memory_space<vmem>>, vector<1x1x3x128xi32>
    %swap3A_268 = vector.shape_cast %swap3A_267 : vector<1x1x3x128xi32> to vector<3x128xi32>
    %swap3A_269 = vector.shape_cast %add3A_262 : vector<3x128xi32> to vector<1x1x3x128xi32>
    tpu.vector_store %arg5[%swap3A_263, %swap3A_264, %swap3A_265, %swap3A_266], %swap3A_269 {strides = array<i32>} : memref<1x4x3x128xi32, #tpu.memory_space<vmem>>, vector<1x1x3x128xi32>,
    %div3A_270 = arith.divf %div3A_205, %add3A_259 : vector<1x128xf32>
    %div3A_271 = arith.divf %div3A_231, %add3A_259 : vector<1x128xf32>
    %div3A_272 = arith.divf %div3A_257, %add3A_259 : vector<1x128xf32>
    %concatenate3A_273 = tpu.concatenate %div3A_270, %div3A_271, %div3A_272 in 0 : vector<1x128xf32>, vector<1x128xf32>, vector<1x128xf32> -> vector<3x128xf32>
    %swap3A_274 = arith.constant 0 : index
    %swap3A_275 = arith.constant 1 : index
    %swap3A_276 = arith.constant 0 : index
    %swap3A_277 = arith.constant 0 : index
    %swap3A_278 = vector.load %arg6[%swap3A_274, %swap3A_275, %swap3A_276, %swap3A_277] : memref<1x4x3x128xf32, #tpu.memory_space<vmem>>, vector<1x1x3x128xf32>
    %swap3A_279 = vector.shape_cast %swap3A_278 : vector<1x1x3x128xf32> to vector<3x128xf32>
    %swap3A_280 = vector.shape_cast %concatenate3A_273 : vector<3x128xf32> to vector<1x1x3x128xf32>
    tpu.vector_store %arg6[%swap3A_274, %swap3A_275, %swap3A_276, %swap3A_277], %swap3A_280 {strides = array<i32>} : memref<1x4x3x128xf32, #tpu.memory_space<vmem>>, vector<1x1x3x128xf32>,
    %get3A_281 = arith.constant 0 : index
    %get3A_282 = arith.constant 2 : index
    %get3A_283 = arith.constant 0 : index
    %get3A_284 = arith.constant 0 : index
    %get3A_285 = vector.load %arg3[%get3A_281, %get3A_282, %get3A_283, %get3A_284] : memref<1x4x1x7xf32, #tpu.memory_space<vmem>>, vector<1x1x1x7xf32>
    %get3A_286 = vector.shape_cast %get3A_285 : vector<1x1x1x7xf32> to vector<1x7xf32>
    %slice3A_287 = vector.extract_strided_slice %get3A_286 {offsets = [0, 2], sizes = [1, 1], strides = [1, 1]} : vector<1x7xf32> to vector<1x1xf32>
    %slice3A_288 = vector.extract_strided_slice %get3A_286 {offsets = [0, 5], sizes = [1, 1], strides = [1, 1]} : vector<1x7xf32> to vector<1x1xf32>
    %mul3A_289 = arith.constant 5.000000e-01 : f32
    %mul3A_290 = vector.broadcast %mul3A_289 : f32 to vector<1x1xf32>
    %mul3A_291 = arith.mulf %mul3A_290, %slice3A_288 : vector<1x1xf32>
    %add3A_292 = arith.addf %slice3A_287, %mul3A_291 : vector<1x1xf32>
    %slice3A_293 = vector.extract_strided_slice %get3A_1 {offsets = [0, 0], sizes = [1, 128], strides = [1, 1]} : vector<3x128xf32> to vector<1x128xf32>
    %slice3A_294 = vector.extract_strided_slice %get3A_286 {offsets = [0, 3], sizes = [1, 1], strides = [1, 1]} : vector<1x7xf32> to vector<1x1xf32>
    %mul3A_295 = vector.broadcast %slice3A_294 : vector<1x1xf32> to vector<1x128xf32>
    %mul3A_296 = arith.mulf %slice3A_293, %mul3A_295 : vector<1x128xf32>
    %slice3A_297 = vector.extract_strided_slice %get3A_286 {offsets = [0, 0], sizes = [1, 1], strides = [1, 1]} : vector<1x7xf32> to vector<1x1xf32>
    %add3A_298 = vector.broadcast %slice3A_297 : vector<1x1xf32> to vector<1x128xf32>
    %add3A_299 = arith.addf %mul3A_296, %add3A_298 : vector<1x128xf32>
    %slice3A_300 = vector.extract_strided_slice %get3A_1 {offsets = [1, 0], sizes = [1, 128], strides = [1, 1]} : vector<3x128xf32> to vector<1x128xf32>
    %slice3A_301 = vector.extract_strided_slice %get3A_286 {offsets = [0, 4], sizes = [1, 1], strides = [1, 1]} : vector<1x7xf32> to vector<1x1xf32>
    %mul3A_302 = vector.broadcast %slice3A_301 : vector<1x1xf32> to vector<1x128xf32>
    %mul3A_303 = arith.mulf %slice3A_300, %mul3A_302 : vector<1x128xf32>
    %slice3A_304 = vector.extract_strided_slice %get3A_286 {offsets = [0, 1], sizes = [1, 1], strides = [1, 1]} : vector<1x7xf32> to vector<1x1xf32>
    %add3A_305 = vector.broadcast %slice3A_304 : vector<1x1xf32> to vector<1x128xf32>
    %add3A_306 = arith.addf %mul3A_303, %add3A_305 : vector<1x128xf32>
    %slice3A_307 = vector.extract_strided_slice %get3A_1 {offsets = [2, 0], sizes = [1, 128], strides = [1, 1]} : vector<3x128xf32> to vector<1x128xf32>
    %slice3A_308 = vector.extract_strided_slice %get3A_286 {offsets = [0, 5], sizes = [1, 1], strides = [1, 1]} : vector<1x7xf32> to vector<1x1xf32>
    %mul3A_309 = vector.broadcast %slice3A_308 : vector<1x1xf32> to vector<1x128xf32>
    %mul3A_310 = arith.mulf %slice3A_307, %mul3A_309 : vector<1x128xf32>
    %add3A_311 = vector.broadcast %add3A_292 : vector<1x1xf32> to vector<1x128xf32>
    %add3A_312 = arith.addf %mul3A_310, %add3A_311 : vector<1x128xf32>
    %concatenate3A_313 = tpu.concatenate %add3A_299, %add3A_306, %add3A_312 in 0 : vector<1x128xf32>, vector<1x128xf32>, vector<1x128xf32> -> vector<3x128xf32>
    %dot_general3A_314 = arith.constant dense<0.000000e+00> : vector<4096x128xf32>
    %dot_general3A_315 = tpu.matmul %get3A_6, %concatenate3A_313, %dot_general3A_314 {dimension_numbers = #tpu.dot_dimension_numbers<[1], [0], [0], [1], [0, 0, 1, 1], [], []>, transpose_lhs_hint = false} : vector<4096x3xf32>, vector<3x128xf32>, vector<4096x128xf32> -> vector<4096x128xf32>
    %mul3A_316 = arith.mulf %concatenate3A_313, %concatenate3A_313 : vector<3x128xf32>
    %reduce_sum3A_317 = arith.constant dense<0.000000e+00> : vector<128xf32>
    %reduce_sum3A_318 = vector.multi_reduction <add>, %mul3A_316, %reduce_sum3A_317 [0] : vector<3x128xf32> to vector<128xf32>
    %broadcast_in_dim3A_319 = vector.shape_cast %reduce_sum3A_318 : vector<128xf32> to vector<1x128xf32>
    %mul3A_320 = arith.constant 2.000000e+00 : f32
    %mul3A_321 = vector.broadcast %mul3A_320 : f32 to vector<4096x128xf32>
    %mul3A_322 = arith.mulf %mul3A_321, %dot_general3A_315 : vector<4096x128xf32>
    %sub3A_323 = vector.broadcast %broadcast_in_dim3A_319 : vector<1x128xf32> to vector<4096x128xf32>
    %sub3A_324 = arith.subf %sub3A_323, %mul3A_322 : vector<4096x128xf32>
    %add3A_325 = vector.broadcast %broadcast_in_dim3A : vector<4096x1xf32> to vector<4096x128xf32>
    %add3A_326 = arith.addf %sub3A_324, %add3A_325 : vector<4096x128xf32>
    %reduce_min3A_327 = arith.constant dense<0x7F800000> : vector<128xf32>
    %reduce_min3A_328 = vector.multi_reduction <minimumf>, %add3A_326, %reduce_min3A_327 [0] : vector<4096x128xf32> to vector<128xf32>
    %broadcast_in_dim3A_329 = vector.shape_cast %reduce_min3A_328 : vector<128xf32> to vector<1x128xf32>
    %eq3A_330 = vector.broadcast %broadcast_in_dim3A_329 : vector<1x128xf32> to vector<4096x128xf32>
    %eq3A_331 = arith.cmpf oeq, %add3A_326, %eq3A_330 : vector<4096x128xf32>
    %jit3A_332 = arith.constant 4096 : i32
    %broadcast_in_dim3A_333 = vector.broadcast %jit3A_332 : i32 to vector<4096x128xi32>
    %select_n3A_334 = arith.select %eq3A_331, %iota3A, %broadcast_in_dim3A_333 : vector<4096x128xi1>, vector<4096x128xi32>
    %reduce_min3A_335 = arith.constant dense<2147483647> : vector<128xi32>
    %reduce_min3A_336 = vector.multi_reduction <minsi>, %select_n3A_334, %reduce_min3A_335 [0] : vector<4096x128xi32> to vector<128xi32>
    %broadcast_in_dim3A_337 = vector.shape_cast %reduce_min3A_336 : vector<128xi32> to vector<1x128xi32>
    %max3A_338 = arith.constant 0.000000e+00 : f32
    %max3A_339 = vector.broadcast %max3A_338 : f32 to vector<1x128xf32>
    %max3A_340 = arith.maximumf %broadcast_in_dim3A_329, %max3A_339 : vector<1x128xf32>
    %sqrt3A_341 = math.sqrt %max3A_340 : vector<1x128xf32>
    %add3A_342 = arith.constant 9.99999993E-9 : f32
    %add3A_343 = vector.broadcast %add3A_342 : f32 to vector<1x128xf32>
    %add3A_344 = arith.addf %sqrt3A_341, %add3A_343 : vector<1x128xf32>
    %div3A_345 = arith.constant 1.000000e+00 : f32
    %div3A_346 = vector.broadcast %div3A_345 : f32 to vector<1x128xf32>
    %div3A_347 = arith.divf %div3A_346, %add3A_344 : vector<1x128xf32>
    %eq3A_348 = vector.broadcast %broadcast_in_dim3A_337 : vector<1x128xi32> to vector<4096x128xi32>
    %eq3A_349 = arith.cmpi eq, %iota3A, %eq3A_348 : vector<4096x128xi32>
    %jit3A_350 = arith.constant 0x7F800000 : f32
    %broadcast_in_dim3A_351 = vector.broadcast %jit3A_350 : f32 to vector<4096x128xf32>
    %select_n3A_352 = arith.select %eq3A_349, %broadcast_in_dim3A_351, %add3A_326 : vector<4096x128xi1>, vector<4096x128xf32>
    %reduce_min3A_353 = arith.constant dense<0x7F800000> : vector<128xf32>
    %reduce_min3A_354 = vector.multi_reduction <minimumf>, %select_n3A_352, %reduce_min3A_353 [0] : vector<4096x128xf32> to vector<128xf32>
    %broadcast_in_dim3A_355 = vector.shape_cast %reduce_min3A_354 : vector<128xf32> to vector<1x128xf32>
    %eq3A_356 = vector.broadcast %broadcast_in_dim3A_355 : vector<1x128xf32> to vector<4096x128xf32>
    %eq3A_357 = arith.cmpf oeq, %select_n3A_352, %eq3A_356 : vector<4096x128xf32>
    %jit3A_358 = arith.constant 4096 : i32
    %broadcast_in_dim3A_359 = vector.broadcast %jit3A_358 : i32 to vector<4096x128xi32>
    %select_n3A_360 = arith.select %eq3A_357, %iota3A, %broadcast_in_dim3A_359 : vector<4096x128xi1>, vector<4096x128xi32>
    %reduce_min3A_361 = arith.constant dense<2147483647> : vector<128xi32>
    %reduce_min3A_362 = vector.multi_reduction <minsi>, %select_n3A_360, %reduce_min3A_361 [0] : vector<4096x128xi32> to vector<128xi32>
    %broadcast_in_dim3A_363 = vector.shape_cast %reduce_min3A_362 : vector<128xi32> to vector<1x128xi32>
    %max3A_364 = arith.constant 0.000000e+00 : f32
    %max3A_365 = vector.broadcast %max3A_364 : f32 to vector<1x128xf32>
    %max3A_366 = arith.maximumf %broadcast_in_dim3A_355, %max3A_365 : vector<1x128xf32>
    %sqrt3A_367 = math.sqrt %max3A_366 : vector<1x128xf32>
    %add3A_368 = arith.constant 9.99999993E-9 : f32
    %add3A_369 = vector.broadcast %add3A_368 : f32 to vector<1x128xf32>
    %add3A_370 = arith.addf %sqrt3A_367, %add3A_369 : vector<1x128xf32>
    %div3A_371 = arith.constant 1.000000e+00 : f32
    %div3A_372 = vector.broadcast %div3A_371 : f32 to vector<1x128xf32>
    %div3A_373 = arith.divf %div3A_372, %add3A_370 : vector<1x128xf32>
    %eq3A_374 = vector.broadcast %broadcast_in_dim3A_363 : vector<1x128xi32> to vector<4096x128xi32>
    %eq3A_375 = arith.cmpi eq, %iota3A, %eq3A_374 : vector<4096x128xi32>
    %jit3A_376 = arith.constant 0x7F800000 : f32
    %broadcast_in_dim3A_377 = vector.broadcast %jit3A_376 : f32 to vector<4096x128xf32>
    %select_n3A_378 = arith.select %eq3A_375, %broadcast_in_dim3A_377, %select_n3A_352 : vector<4096x128xi1>, vector<4096x128xf32>
    %reduce_min3A_379 = arith.constant dense<0x7F800000> : vector<128xf32>
    %reduce_min3A_380 = vector.multi_reduction <minimumf>, %select_n3A_378, %reduce_min3A_379 [0] : vector<4096x128xf32> to vector<128xf32>
    %broadcast_in_dim3A_381 = vector.shape_cast %reduce_min3A_380 : vector<128xf32> to vector<1x128xf32>
    %eq3A_382 = vector.broadcast %broadcast_in_dim3A_381 : vector<1x128xf32> to vector<4096x128xf32>
    %eq3A_383 = arith.cmpf oeq, %select_n3A_378, %eq3A_382 : vector<4096x128xf32>
    %jit3A_384 = arith.constant 4096 : i32
    %broadcast_in_dim3A_385 = vector.broadcast %jit3A_384 : i32 to vector<4096x128xi32>
    %select_n3A_386 = arith.select %eq3A_383, %iota3A, %broadcast_in_dim3A_385 : vector<4096x128xi1>, vector<4096x128xi32>
    %reduce_min3A_387 = arith.constant dense<2147483647> : vector<128xi32>
    %reduce_min3A_388 = vector.multi_reduction <minsi>, %select_n3A_386, %reduce_min3A_387 [0] : vector<4096x128xi32> to vector<128xi32>
    %broadcast_in_dim3A_389 = vector.shape_cast %reduce_min3A_388 : vector<128xi32> to vector<1x128xi32>
    %max3A_390 = arith.constant 0.000000e+00 : f32
    %max3A_391 = vector.broadcast %max3A_390 : f32 to vector<1x128xf32>
    %max3A_392 = arith.maximumf %broadcast_in_dim3A_381, %max3A_391 : vector<1x128xf32>
    %sqrt3A_393 = math.sqrt %max3A_392 : vector<1x128xf32>
    %add3A_394 = arith.constant 9.99999993E-9 : f32
    %add3A_395 = vector.broadcast %add3A_394 : f32 to vector<1x128xf32>
    %add3A_396 = arith.addf %sqrt3A_393, %add3A_395 : vector<1x128xf32>
    %div3A_397 = arith.constant 1.000000e+00 : f32
    %div3A_398 = vector.broadcast %div3A_397 : f32 to vector<1x128xf32>
    %div3A_399 = arith.divf %div3A_398, %add3A_396 : vector<1x128xf32>
    %add3A_400 = arith.addf %div3A_347, %div3A_373 : vector<1x128xf32>
    %add3A_401 = arith.addf %add3A_400, %div3A_399 : vector<1x128xf32>
    %concatenate3A_402 = tpu.concatenate %broadcast_in_dim3A_337, %broadcast_in_dim3A_363, %broadcast_in_dim3A_389 in 0 : vector<1x128xi32>, vector<1x128xi32>, vector<1x128xi32> -> vector<3x128xi32>
    %add3A_403 = vector.broadcast %mul3A_9 : i32 to vector<3x128xi32>
    %add3A_404 = arith.addi %concatenate3A_402, %add3A_403 : vector<3x128xi32>
    %swap3A_405 = arith.constant 0 : index
    %swap3A_406 = arith.constant 2 : index
    %swap3A_407 = arith.constant 0 : index
    %swap3A_408 = arith.constant 0 : index
    %swap3A_409 = vector.load %arg5[%swap3A_405, %swap3A_406, %swap3A_407, %swap3A_408] : memref<1x4x3x128xi32, #tpu.memory_space<vmem>>, vector<1x1x3x128xi32>
    %swap3A_410 = vector.shape_cast %swap3A_409 : vector<1x1x3x128xi32> to vector<3x128xi32>
    %swap3A_411 = vector.shape_cast %add3A_404 : vector<3x128xi32> to vector<1x1x3x128xi32>
    tpu.vector_store %arg5[%swap3A_405, %swap3A_406, %swap3A_407, %swap3A_408], %swap3A_411 {strides = array<i32>} : memref<1x4x3x128xi32, #tpu.memory_space<vmem>>, vector<1x1x3x128xi32>,
    %div3A_412 = arith.divf %div3A_347, %add3A_401 : vector<1x128xf32>
    %div3A_413 = arith.divf %div3A_373, %add3A_401 : vector<1x128xf32>
    %div3A_414 = arith.divf %div3A_399, %add3A_401 : vector<1x128xf32>
    %concatenate3A_415 = tpu.concatenate %div3A_412, %div3A_413, %div3A_414 in 0 : vector<1x128xf32>, vector<1x128xf32>, vector<1x128xf32> -> vector<3x128xf32>
    %swap3A_416 = arith.constant 0 : index
    %swap3A_417 = arith.constant 2 : index
    %swap3A_418 = arith.constant 0 : index
    %swap3A_419 = arith.constant 0 : index
    %swap3A_420 = vector.load %arg6[%swap3A_416, %swap3A_417, %swap3A_418, %swap3A_419] : memref<1x4x3x128xf32, #tpu.memory_space<vmem>>, vector<1x1x3x128xf32>
    %swap3A_421 = vector.shape_cast %swap3A_420 : vector<1x1x3x128xf32> to vector<3x128xf32>
    %swap3A_422 = vector.shape_cast %concatenate3A_415 : vector<3x128xf32> to vector<1x1x3x128xf32>
    tpu.vector_store %arg6[%swap3A_416, %swap3A_417, %swap3A_418, %swap3A_419], %swap3A_422 {strides = array<i32>} : memref<1x4x3x128xf32, #tpu.memory_space<vmem>>, vector<1x1x3x128xf32>,
    %get3A_423 = arith.constant 0 : index
    %get3A_424 = arith.constant 3 : index
    %get3A_425 = arith.constant 0 : index
    %get3A_426 = arith.constant 0 : index
    %get3A_427 = vector.load %arg3[%get3A_423, %get3A_424, %get3A_425, %get3A_426] : memref<1x4x1x7xf32, #tpu.memory_space<vmem>>, vector<1x1x1x7xf32>
    %get3A_428 = vector.shape_cast %get3A_427 : vector<1x1x1x7xf32> to vector<1x7xf32>
    %slice3A_429 = vector.extract_strided_slice %get3A_428 {offsets = [0, 2], sizes = [1, 1], strides = [1, 1]} : vector<1x7xf32> to vector<1x1xf32>
    %slice3A_430 = vector.extract_strided_slice %get3A_428 {offsets = [0, 5], sizes = [1, 1], strides = [1, 1]} : vector<1x7xf32> to vector<1x1xf32>
    %mul3A_431 = arith.constant 5.000000e-01 : f32
    %mul3A_432 = vector.broadcast %mul3A_431 : f32 to vector<1x1xf32>
    %mul3A_433 = arith.mulf %mul3A_432, %slice3A_430 : vector<1x1xf32>
    %add3A_434 = arith.addf %slice3A_429, %mul3A_433 : vector<1x1xf32>
    %slice3A_435 = vector.extract_strided_slice %get3A_1 {offsets = [0, 0], sizes = [1, 128], strides = [1, 1]} : vector<3x128xf32> to vector<1x128xf32>
    %slice3A_436 = vector.extract_strided_slice %get3A_428 {offsets = [0, 3], sizes = [1, 1], strides = [1, 1]} : vector<1x7xf32> to vector<1x1xf32>
    %mul3A_437 = vector.broadcast %slice3A_436 : vector<1x1xf32> to vector<1x128xf32>
    %mul3A_438 = arith.mulf %slice3A_435, %mul3A_437 : vector<1x128xf32>
    %slice3A_439 = vector.extract_strided_slice %get3A_428 {offsets = [0, 0], sizes = [1, 1], strides = [1, 1]} : vector<1x7xf32> to vector<1x1xf32>
    %add3A_440 = vector.broadcast %slice3A_439 : vector<1x1xf32> to vector<1x128xf32>
    %add3A_441 = arith.addf %mul3A_438, %add3A_440 : vector<1x128xf32>
    %slice3A_442 = vector.extract_strided_slice %get3A_1 {offsets = [1, 0], sizes = [1, 128], strides = [1, 1]} : vector<3x128xf32> to vector<1x128xf32>
    %slice3A_443 = vector.extract_strided_slice %get3A_428 {offsets = [0, 4], sizes = [1, 1], strides = [1, 1]} : vector<1x7xf32> to vector<1x1xf32>
    %mul3A_444 = vector.broadcast %slice3A_443 : vector<1x1xf32> to vector<1x128xf32>
    %mul3A_445 = arith.mulf %slice3A_442, %mul3A_444 : vector<1x128xf32>
    %slice3A_446 = vector.extract_strided_slice %get3A_428 {offsets = [0, 1], sizes = [1, 1], strides = [1, 1]} : vector<1x7xf32> to vector<1x1xf32>
    %add3A_447 = vector.broadcast %slice3A_446 : vector<1x1xf32> to vector<1x128xf32>
    %add3A_448 = arith.addf %mul3A_445, %add3A_447 : vector<1x128xf32>
    %slice3A_449 = vector.extract_strided_slice %get3A_1 {offsets = [2, 0], sizes = [1, 128], strides = [1, 1]} : vector<3x128xf32> to vector<1x128xf32>
    %slice3A_450 = vector.extract_strided_slice %get3A_428 {offsets = [0, 5], sizes = [1, 1], strides = [1, 1]} : vector<1x7xf32> to vector<1x1xf32>
    %mul3A_451 = vector.broadcast %slice3A_450 : vector<1x1xf32> to vector<1x128xf32>
    %mul3A_452 = arith.mulf %slice3A_449, %mul3A_451 : vector<1x128xf32>
    %add3A_453 = vector.broadcast %add3A_434 : vector<1x1xf32> to vector<1x128xf32>
    %add3A_454 = arith.addf %mul3A_452, %add3A_453 : vector<1x128xf32>
    %concatenate3A_455 = tpu.concatenate %add3A_441, %add3A_448, %add3A_454 in 0 : vector<1x128xf32>, vector<1x128xf32>, vector<1x128xf32> -> vector<3x128xf32>
    %dot_general3A_456 = arith.constant dense<0.000000e+00> : vector<4096x128xf32>
    %dot_general3A_457 = tpu.matmul %get3A_6, %concatenate3A_455, %dot_general3A_456 {dimension_numbers = #tpu.dot_dimension_numbers<[1], [0], [0], [1], [0, 0, 1, 1], [], []>, transpose_lhs_hint = false} : vector<4096x3xf32>, vector<3x128xf32>, vector<4096x128xf32> -> vector<4096x128xf32>
    %mul3A_458 = arith.mulf %concatenate3A_455, %concatenate3A_455 : vector<3x128xf32>
    %reduce_sum3A_459 = arith.constant dense<0.000000e+00> : vector<128xf32>
    %reduce_sum3A_460 = vector.multi_reduction <add>, %mul3A_458, %reduce_sum3A_459 [0] : vector<3x128xf32> to vector<128xf32>
    %broadcast_in_dim3A_461 = vector.shape_cast %reduce_sum3A_460 : vector<128xf32> to vector<1x128xf32>
    %mul3A_462 = arith.constant 2.000000e+00 : f32
    %mul3A_463 = vector.broadcast %mul3A_462 : f32 to vector<4096x128xf32>
    %mul3A_464 = arith.mulf %mul3A_463, %dot_general3A_457 : vector<4096x128xf32>
    %sub3A_465 = vector.broadcast %broadcast_in_dim3A_461 : vector<1x128xf32> to vector<4096x128xf32>
    %sub3A_466 = arith.subf %sub3A_465, %mul3A_464 : vector<4096x128xf32>
    %add3A_467 = vector.broadcast %broadcast_in_dim3A : vector<4096x1xf32> to vector<4096x128xf32>
    %add3A_468 = arith.addf %sub3A_466, %add3A_467 : vector<4096x128xf32>
    %reduce_min3A_469 = arith.constant dense<0x7F800000> : vector<128xf32>
    %reduce_min3A_470 = vector.multi_reduction <minimumf>, %add3A_468, %reduce_min3A_469 [0] : vector<4096x128xf32> to vector<128xf32>
    %broadcast_in_dim3A_471 = vector.shape_cast %reduce_min3A_470 : vector<128xf32> to vector<1x128xf32>
    %eq3A_472 = vector.broadcast %broadcast_in_dim3A_471 : vector<1x128xf32> to vector<4096x128xf32>
    %eq3A_473 = arith.cmpf oeq, %add3A_468, %eq3A_472 : vector<4096x128xf32>
    %jit3A_474 = arith.constant 4096 : i32
    %broadcast_in_dim3A_475 = vector.broadcast %jit3A_474 : i32 to vector<4096x128xi32>
    %select_n3A_476 = arith.select %eq3A_473, %iota3A, %broadcast_in_dim3A_475 : vector<4096x128xi1>, vector<4096x128xi32>
    %reduce_min3A_477 = arith.constant dense<2147483647> : vector<128xi32>
    %reduce_min3A_478 = vector.multi_reduction <minsi>, %select_n3A_476, %reduce_min3A_477 [0] : vector<4096x128xi32> to vector<128xi32>
    %broadcast_in_dim3A_479 = vector.shape_cast %reduce_min3A_478 : vector<128xi32> to vector<1x128xi32>
    %max3A_480 = arith.constant 0.000000e+00 : f32
    %max3A_481 = vector.broadcast %max3A_480 : f32 to vector<1x128xf32>
    %max3A_482 = arith.maximumf %broadcast_in_dim3A_471, %max3A_481 : vector<1x128xf32>
    %sqrt3A_483 = math.sqrt %max3A_482 : vector<1x128xf32>
    %add3A_484 = arith.constant 9.99999993E-9 : f32
    %add3A_485 = vector.broadcast %add3A_484 : f32 to vector<1x128xf32>
    %add3A_486 = arith.addf %sqrt3A_483, %add3A_485 : vector<1x128xf32>
    %div3A_487 = arith.constant 1.000000e+00 : f32
    %div3A_488 = vector.broadcast %div3A_487 : f32 to vector<1x128xf32>
    %div3A_489 = arith.divf %div3A_488, %add3A_486 : vector<1x128xf32>
    %eq3A_490 = vector.broadcast %broadcast_in_dim3A_479 : vector<1x128xi32> to vector<4096x128xi32>
    %eq3A_491 = arith.cmpi eq, %iota3A, %eq3A_490 : vector<4096x128xi32>
    %jit3A_492 = arith.constant 0x7F800000 : f32
    %broadcast_in_dim3A_493 = vector.broadcast %jit3A_492 : f32 to vector<4096x128xf32>
    %select_n3A_494 = arith.select %eq3A_491, %broadcast_in_dim3A_493, %add3A_468 : vector<4096x128xi1>, vector<4096x128xf32>
    %reduce_min3A_495 = arith.constant dense<0x7F800000> : vector<128xf32>
    %reduce_min3A_496 = vector.multi_reduction <minimumf>, %select_n3A_494, %reduce_min3A_495 [0] : vector<4096x128xf32> to vector<128xf32>
    %broadcast_in_dim3A_497 = vector.shape_cast %reduce_min3A_496 : vector<128xf32> to vector<1x128xf32>
    %eq3A_498 = vector.broadcast %broadcast_in_dim3A_497 : vector<1x128xf32> to vector<4096x128xf32>
    %eq3A_499 = arith.cmpf oeq, %select_n3A_494, %eq3A_498 : vector<4096x128xf32>
    %jit3A_500 = arith.constant 4096 : i32
    %broadcast_in_dim3A_501 = vector.broadcast %jit3A_500 : i32 to vector<4096x128xi32>
    %select_n3A_502 = arith.select %eq3A_499, %iota3A, %broadcast_in_dim3A_501 : vector<4096x128xi1>, vector<4096x128xi32>
    %reduce_min3A_503 = arith.constant dense<2147483647> : vector<128xi32>
    %reduce_min3A_504 = vector.multi_reduction <minsi>, %select_n3A_502, %reduce_min3A_503 [0] : vector<4096x128xi32> to vector<128xi32>
    %broadcast_in_dim3A_505 = vector.shape_cast %reduce_min3A_504 : vector<128xi32> to vector<1x128xi32>
    %max3A_506 = arith.constant 0.000000e+00 : f32
    %max3A_507 = vector.broadcast %max3A_506 : f32 to vector<1x128xf32>
    %max3A_508 = arith.maximumf %broadcast_in_dim3A_497, %max3A_507 : vector<1x128xf32>
    %sqrt3A_509 = math.sqrt %max3A_508 : vector<1x128xf32>
    %add3A_510 = arith.constant 9.99999993E-9 : f32
    %add3A_511 = vector.broadcast %add3A_510 : f32 to vector<1x128xf32>
    %add3A_512 = arith.addf %sqrt3A_509, %add3A_511 : vector<1x128xf32>
    %div3A_513 = arith.constant 1.000000e+00 : f32
    %div3A_514 = vector.broadcast %div3A_513 : f32 to vector<1x128xf32>
    %div3A_515 = arith.divf %div3A_514, %add3A_512 : vector<1x128xf32>
    %eq3A_516 = vector.broadcast %broadcast_in_dim3A_505 : vector<1x128xi32> to vector<4096x128xi32>
    %eq3A_517 = arith.cmpi eq, %iota3A, %eq3A_516 : vector<4096x128xi32>
    %jit3A_518 = arith.constant 0x7F800000 : f32
    %broadcast_in_dim3A_519 = vector.broadcast %jit3A_518 : f32 to vector<4096x128xf32>
    %select_n3A_520 = arith.select %eq3A_517, %broadcast_in_dim3A_519, %select_n3A_494 : vector<4096x128xi1>, vector<4096x128xf32>
    %reduce_min3A_521 = arith.constant dense<0x7F800000> : vector<128xf32>
    %reduce_min3A_522 = vector.multi_reduction <minimumf>, %select_n3A_520, %reduce_min3A_521 [0] : vector<4096x128xf32> to vector<128xf32>
    %broadcast_in_dim3A_523 = vector.shape_cast %reduce_min3A_522 : vector<128xf32> to vector<1x128xf32>
    %eq3A_524 = vector.broadcast %broadcast_in_dim3A_523 : vector<1x128xf32> to vector<4096x128xf32>
    %eq3A_525 = arith.cmpf oeq, %select_n3A_520, %eq3A_524 : vector<4096x128xf32>
    %jit3A_526 = arith.constant 4096 : i32
    %broadcast_in_dim3A_527 = vector.broadcast %jit3A_526 : i32 to vector<4096x128xi32>
    %select_n3A_528 = arith.select %eq3A_525, %iota3A, %broadcast_in_dim3A_527 : vector<4096x128xi1>, vector<4096x128xi32>
    %reduce_min3A_529 = arith.constant dense<2147483647> : vector<128xi32>
    %reduce_min3A_530 = vector.multi_reduction <minsi>, %select_n3A_528, %reduce_min3A_529 [0] : vector<4096x128xi32> to vector<128xi32>
    %broadcast_in_dim3A_531 = vector.shape_cast %reduce_min3A_530 : vector<128xi32> to vector<1x128xi32>
    %max3A_532 = arith.constant 0.000000e+00 : f32
    %max3A_533 = vector.broadcast %max3A_532 : f32 to vector<1x128xf32>
    %max3A_534 = arith.maximumf %broadcast_in_dim3A_523, %max3A_533 : vector<1x128xf32>
    %sqrt3A_535 = math.sqrt %max3A_534 : vector<1x128xf32>
    %add3A_536 = arith.constant 9.99999993E-9 : f32
    %add3A_537 = vector.broadcast %add3A_536 : f32 to vector<1x128xf32>
    %add3A_538 = arith.addf %sqrt3A_535, %add3A_537 : vector<1x128xf32>
    %div3A_539 = arith.constant 1.000000e+00 : f32
    %div3A_540 = vector.broadcast %div3A_539 : f32 to vector<1x128xf32>
    %div3A_541 = arith.divf %div3A_540, %add3A_538 : vector<1x128xf32>
    %add3A_542 = arith.addf %div3A_489, %div3A_515 : vector<1x128xf32>
    %add3A_543 = arith.addf %add3A_542, %div3A_541 : vector<1x128xf32>
    %concatenate3A_544 = tpu.concatenate %broadcast_in_dim3A_479, %broadcast_in_dim3A_505, %broadcast_in_dim3A_531 in 0 : vector<1x128xi32>, vector<1x128xi32>, vector<1x128xi32> -> vector<3x128xi32>
    %add3A_545 = vector.broadcast %mul3A_9 : i32 to vector<3x128xi32>
    %add3A_546 = arith.addi %concatenate3A_544, %add3A_545 : vector<3x128xi32>
    %swap3A_547 = arith.constant 0 : index
    %swap3A_548 = arith.constant 3 : index
    %swap3A_549 = arith.constant 0 : index
    %swap3A_550 = arith.constant 0 : index
    %swap3A_551 = vector.load %arg5[%swap3A_547, %swap3A_548, %swap3A_549, %swap3A_550] : memref<1x4x3x128xi32, #tpu.memory_space<vmem>>, vector<1x1x3x128xi32>
    %swap3A_552 = vector.shape_cast %swap3A_551 : vector<1x1x3x128xi32> to vector<3x128xi32>
    %swap3A_553 = vector.shape_cast %add3A_546 : vector<3x128xi32> to vector<1x1x3x128xi32>
    tpu.vector_store %arg5[%swap3A_547, %swap3A_548, %swap3A_549, %swap3A_550], %swap3A_553 {strides = array<i32>} : memref<1x4x3x128xi32, #tpu.memory_space<vmem>>, vector<1x1x3x128xi32>,
    %div3A_554 = arith.divf %div3A_489, %add3A_543 : vector<1x128xf32>
    %div3A_555 = arith.divf %div3A_515, %add3A_543 : vector<1x128xf32>
    %div3A_556 = arith.divf %div3A_541, %add3A_543 : vector<1x128xf32>
    %concatenate3A_557 = tpu.concatenate %div3A_554, %div3A_555, %div3A_556 in 0 : vector<1x128xf32>, vector<1x128xf32>, vector<1x128xf32> -> vector<3x128xf32>
    %swap3A_558 = arith.constant 0 : index
    %swap3A_559 = arith.constant 3 : index
    %swap3A_560 = arith.constant 0 : index
    %swap3A_561 = arith.constant 0 : index
    %swap3A_562 = vector.load %arg6[%swap3A_558, %swap3A_559, %swap3A_560, %swap3A_561] : memref<1x4x3x128xf32, #tpu.memory_space<vmem>>, vector<1x1x3x128xf32>
    %swap3A_563 = vector.shape_cast %swap3A_562 : vector<1x1x3x128xf32> to vector<3x128xf32>
    %swap3A_564 = vector.shape_cast %concatenate3A_557 : vector<3x128xf32> to vector<1x1x3x128xf32>
    tpu.vector_store %arg6[%swap3A_558, %swap3A_559, %swap3A_560, %swap3A_561], %swap3A_564 {strides = array<i32>} : memref<1x4x3x128xf32, #tpu.memory_space<vmem>>, vector<1x1x3x128xf32>,
    return
  }
  func.func @transform_0(%arg0: i32, %arg1: i32) -> (i32, i32) {
    %c0_i32 = arith.constant 0 : i32
    %c0_i32_0 = arith.constant 0 : i32
    %c0_i32_1 = arith.constant 0 : i32
    return %c0_i32, %c0_i32_0 : i32, i32
  }
  func.func @transform_1(%arg0: i32, %arg1: i32) -> (i32, i32, i32, i32) {
    %c0_i32 = arith.constant 0 : i32
    %c0_i32_0 = arith.constant 0 : i32
    %c0_i32_1 = arith.constant 0 : i32
    return %arg0, %arg1, %c0_i32, %c0_i32_0 : i32, i32, i32, i32
  }
  func.func @transform_2(%arg0: i32, %arg1: i32) -> (i32, i32, i32) {
    %c0_i32 = arith.constant 0 : i32
    %c0_i32_0 = arith.constant 0 : i32
    %c0_i32_1 = arith.constant 0 : i32
    return %arg0, %c0_i32, %c0_i32_0 : i32, i32, i32
  }
  func.func @transform_3(%arg0: i32, %arg1: i32) -> (i32, i32, i32, i32) {
    %c0_i32 = arith.constant 0 : i32
    %c0_i32_0 = arith.constant 0 : i32
    %c0_i32_1 = arith.constant 0 : i32
    return %arg0, %arg1, %c0_i32, %c0_i32_0 : i32, i32, i32, i32
  }
  func.func @transform_4(%arg0: i32, %arg1: i32) -> (i32, i32, i32, i32) {
    %c0_i32 = arith.constant 0 : i32
    %c0_i32_0 = arith.constant 0 : i32
    %c0_i32_1 = arith.constant 0 : i32
    return %arg0, %arg1, %c0_i32, %c0_i32_0 : i32, i32, i32, i32
  }
}

module attributes {stable_mosaic.version = 14 : i64} {
  func.func @_mlp_kernel(%arg0: i32, %arg1: memref<1x3x128x128xf32, #tpu.memory_space<vmem>>, %arg2: memref<1x128x3xf32, #tpu.memory_space<vmem>>, %arg3: memref<128x128xf32, #tpu.memory_space<vmem>>, %arg4: memref<1x128x125xf32, #tpu.memory_space<vmem>>, %arg5: memref<1x1x128xf32, #tpu.memory_space<vmem>>, %arg6: memref<1x1x128xf32, #tpu.memory_space<vmem>>) attributes {dimension_semantics = [#tpu.dimension_semantics<arbitrary>], iteration_bounds = array<i64: 128>, scalar_prefetch = 0 : i64, scratch_operands = 0 : i64, tpu.core_type = #tpu.core_type<tc>, window_params = [{transform_indices = @transform_0, window_bounds = array<i64: 1, 3, 128, 128>}, {transform_indices = @transform_1, window_bounds = array<i64: 1, 128, 3>}, {pipeline_mode = #tpu.pipeline_mode<synchronous>, transform_indices = @transform_2, window_bounds = array<i64: 128, 128>}, {transform_indices = @transform_3, window_bounds = array<i64: 1, 128, 125>}, {transform_indices = @transform_4, window_bounds = array<i64: 1, 1, 128>}, {transform_indices = @transform_5, window_bounds = array<i64: 1, 1, 128>}]} {
    %get3A = arith.constant 0 : index
    %get3A_0 = arith.constant 0 : index
    %get3A_1 = arith.constant 0 : index
    %get3A_2 = arith.constant 0 : index
    %get3A_3 = vector.load %arg1[%get3A, %get3A_0, %get3A_1, %get3A_2] : memref<1x3x128x128xf32, #tpu.memory_space<vmem>>, vector<1x3x128x128xf32>
    %get3A_4 = vector.shape_cast %get3A_3 : vector<1x3x128x128xf32> to vector<3x128x128xf32>
    %get3A_5 = arith.constant 0 : index
    %get3A_6 = arith.constant 0 : index
    %get3A_7 = arith.constant 0 : index
    %get3A_8 = vector.load %arg2[%get3A_5, %get3A_6, %get3A_7] : memref<1x128x3xf32, #tpu.memory_space<vmem>>, vector<1x128x3xf32>
    %get3A_9 = vector.shape_cast %get3A_8 : vector<1x128x3xf32> to vector<128x3xf32>
    %slice3A = vector.extract_strided_slice %get3A_9 {offsets = [0, 0], sizes = [128, 1], strides = [1, 1]} : vector<128x3xf32> to vector<128x1xf32>
    %slice3A_10 = vector.extract_strided_slice %get3A_4 {offsets = [0, 0, 0], sizes = [1, 128, 128], strides = [1, 1, 1]} : vector<3x128x128xf32> to vector<1x128x128xf32>
    %squeeze3A = vector.shape_cast %slice3A_10 : vector<1x128x128xf32> to vector<128x128xf32>
    %mul3A = vector.broadcast %slice3A : vector<128x1xf32> to vector<128x128xf32>
    %mul3A_11 = arith.mulf %mul3A, %squeeze3A : vector<128x128xf32>
    %slice3A_12 = vector.extract_strided_slice %get3A_9 {offsets = [0, 1], sizes = [128, 1], strides = [1, 1]} : vector<128x3xf32> to vector<128x1xf32>
    %slice3A_13 = vector.extract_strided_slice %get3A_4 {offsets = [1, 0, 0], sizes = [1, 128, 128], strides = [1, 1, 1]} : vector<3x128x128xf32> to vector<1x128x128xf32>
    %squeeze3A_14 = vector.shape_cast %slice3A_13 : vector<1x128x128xf32> to vector<128x128xf32>
    %mul3A_15 = vector.broadcast %slice3A_12 : vector<128x1xf32> to vector<128x128xf32>
    %mul3A_16 = arith.mulf %mul3A_15, %squeeze3A_14 : vector<128x128xf32>
    %add3A = arith.addf %mul3A_11, %mul3A_16 : vector<128x128xf32>
    %slice3A_17 = vector.extract_strided_slice %get3A_9 {offsets = [0, 2], sizes = [128, 1], strides = [1, 1]} : vector<128x3xf32> to vector<128x1xf32>
    %slice3A_18 = vector.extract_strided_slice %get3A_4 {offsets = [2, 0, 0], sizes = [1, 128, 128], strides = [1, 1, 1]} : vector<3x128x128xf32> to vector<1x128x128xf32>
    %squeeze3A_19 = vector.shape_cast %slice3A_18 : vector<1x128x128xf32> to vector<128x128xf32>
    %mul3A_20 = vector.broadcast %slice3A_17 : vector<128x1xf32> to vector<128x128xf32>
    %mul3A_21 = arith.mulf %mul3A_20, %squeeze3A_19 : vector<128x128xf32>
    %add3A_22 = arith.addf %add3A, %mul3A_21 : vector<128x128xf32>
    %iota3A = tpu.iota {dimensions = array<i32: 0>} : vector<128x1xi32>
    %lt3A = arith.constant 125 : i32
    %lt3A_23 = vector.broadcast %lt3A : i32 to vector<128x1xi32>
    %lt3A_24 = arith.cmpi slt, %iota3A, %lt3A_23 : vector<128x1xi32>
    %jit3A = arith.constant 0.000000e+00 : f32
    %broadcast_in_dim3A = vector.shape_cast %lt3A_24 : vector<128x1xi1> to vector<128x1xi1>
    %broadcast_in_dim3A_25 = vector.broadcast %broadcast_in_dim3A : vector<128x1xi1> to vector<128x128xi1>
    %broadcast_in_dim3A_26 = vector.broadcast %jit3A : f32 to vector<128x128xf32>
    %select_n3A = arith.select %broadcast_in_dim3A_25, %add3A_22, %broadcast_in_dim3A_26 : vector<128x128xi1>, vector<128x128xf32>
    %get3A_27 = arith.constant 0 : index
    %get3A_28 = arith.constant 0 : index
    %get3A_29 = vector.load %arg3[%get3A_27, %get3A_28] : memref<128x128xf32, #tpu.memory_space<vmem>>, vector<128x128xf32>
    %dot_general3A = arith.constant dense<0.000000e+00> : vector<128x128xf32>
    %dot_general3A_30 = tpu.matmul %select_n3A, %get3A_29, %dot_general3A {dimension_numbers = #tpu.dot_dimension_numbers<[1], [0], [0], [1], [0, 0, 1, 1], [], []>, transpose_lhs_hint = false} : vector<128x128xf32>, vector<128x128xf32>, vector<128x128xf32> -> vector<128x128xf32>
    %transpose3A = tpu.transpose %dot_general3A_30, [1, 0] : vector<128x128xf32> -> vector<128x128xf32>
    %slice3A_31 = vector.extract_strided_slice %transpose3A {offsets = [0, 0], sizes = [128, 125], strides = [1, 1]} : vector<128x128xf32> to vector<128x125xf32>
    %swap3A = arith.constant 0 : index
    %swap3A_32 = arith.constant 0 : index
    %swap3A_33 = arith.constant 0 : index
    %swap3A_34 = vector.load %arg4[%swap3A, %swap3A_32, %swap3A_33] : memref<1x128x125xf32, #tpu.memory_space<vmem>>, vector<1x128x125xf32>
    %swap3A_35 = vector.shape_cast %swap3A_34 : vector<1x128x125xf32> to vector<128x125xf32>
    %swap3A_36 = vector.shape_cast %slice3A_31 : vector<128x125xf32> to vector<1x128x125xf32>
    tpu.vector_store %arg4[%swap3A, %swap3A_32, %swap3A_33], %swap3A_36 {strides = array<i32>} : memref<1x128x125xf32, #tpu.memory_space<vmem>>, vector<1x128x125xf32>,
    %reduce_sum3A = arith.constant dense<0.000000e+00> : vector<128xf32>
    %reduce_sum3A_37 = vector.multi_reduction <add>, %dot_general3A_30, %reduce_sum3A [0] : vector<128x128xf32> to vector<128xf32>
    %broadcast_in_dim3A_38 = vector.shape_cast %reduce_sum3A_37 : vector<128xf32> to vector<1x128xf32>
    %swap3A_39 = arith.constant 0 : index
    %swap3A_40 = arith.constant 0 : index
    %swap3A_41 = arith.constant 0 : index
    %swap3A_42 = vector.load %arg5[%swap3A_39, %swap3A_40, %swap3A_41] : memref<1x1x128xf32, #tpu.memory_space<vmem>>, vector<1x1x128xf32>
    %swap3A_43 = vector.shape_cast %swap3A_42 : vector<1x1x128xf32> to vector<1x128xf32>
    %swap3A_44 = vector.shape_cast %broadcast_in_dim3A_38 : vector<1x128xf32> to vector<1x1x128xf32>
    tpu.vector_store %arg5[%swap3A_39, %swap3A_40, %swap3A_41], %swap3A_44 {strides = array<i32>} : memref<1x1x128xf32, #tpu.memory_space<vmem>>, vector<1x1x128xf32>,
    %mul3A_45 = arith.mulf %dot_general3A_30, %dot_general3A_30 : vector<128x128xf32>
    %reduce_sum3A_46 = arith.constant dense<0.000000e+00> : vector<128xf32>
    %reduce_sum3A_47 = vector.multi_reduction <add>, %mul3A_45, %reduce_sum3A_46 [0] : vector<128x128xf32> to vector<128xf32>
    %broadcast_in_dim3A_48 = vector.shape_cast %reduce_sum3A_47 : vector<128xf32> to vector<1x128xf32>
    %swap3A_49 = arith.constant 0 : index
    %swap3A_50 = arith.constant 0 : index
    %swap3A_51 = arith.constant 0 : index
    %swap3A_52 = vector.load %arg6[%swap3A_49, %swap3A_50, %swap3A_51] : memref<1x1x128xf32, #tpu.memory_space<vmem>>, vector<1x1x128xf32>
    %swap3A_53 = vector.shape_cast %swap3A_52 : vector<1x1x128xf32> to vector<1x128xf32>
    %swap3A_54 = vector.shape_cast %broadcast_in_dim3A_48 : vector<1x128xf32> to vector<1x1x128xf32>
    tpu.vector_store %arg6[%swap3A_49, %swap3A_50, %swap3A_51], %swap3A_54 {strides = array<i32>} : memref<1x1x128xf32, #tpu.memory_space<vmem>>, vector<1x1x128xf32>,
    return
  }
  func.func @transform_0(%arg0: i32) -> (i32, i32, i32, i32) {
    %c0_i32 = arith.constant 0 : i32
    %c0_i32_0 = arith.constant 0 : i32
    %c0_i32_1 = arith.constant 0 : i32
    %c0_i32_2 = arith.constant 0 : i32
    return %arg0, %c0_i32, %c0_i32_0, %c0_i32_1 : i32, i32, i32, i32
  }
  func.func @transform_1(%arg0: i32) -> (i32, i32, i32) {
    %c0_i32 = arith.constant 0 : i32
    %c0_i32_0 = arith.constant 0 : i32
    %c0_i32_1 = arith.constant 0 : i32
    return %arg0, %c0_i32, %c0_i32_0 : i32, i32, i32
  }
  func.func @transform_2(%arg0: i32) -> (i32, i32) {
    %c0_i32 = arith.constant 0 : i32
    %c0_i32_0 = arith.constant 0 : i32
    %c0_i32_1 = arith.constant 0 : i32
    return %c0_i32, %c0_i32_0 : i32, i32
  }
  func.func @transform_3(%arg0: i32) -> (i32, i32, i32) {
    %c0_i32 = arith.constant 0 : i32
    %c0_i32_0 = arith.constant 0 : i32
    %c0_i32_1 = arith.constant 0 : i32
    return %arg0, %c0_i32, %c0_i32_0 : i32, i32, i32
  }
  func.func @transform_4(%arg0: i32) -> (i32, i32, i32) {
    %c0_i32 = arith.constant 0 : i32
    %c0_i32_0 = arith.constant 0 : i32
    %c0_i32_1 = arith.constant 0 : i32
    return %arg0, %c0_i32, %c0_i32_0 : i32, i32, i32
  }
  func.func @transform_5(%arg0: i32) -> (i32, i32, i32) {
    %c0_i32 = arith.constant 0 : i32
    %c0_i32_0 = arith.constant 0 : i32
    %c0_i32_1 = arith.constant 0 : i32
    return %arg0, %c0_i32, %c0_i32_0 : i32, i32, i32
  }
}

module attributes {stable_mosaic.version = 14 : i64} {
  func.func @_bn_kernel(%arg0: i32, %arg1: memref<1x128x125xf32, #tpu.memory_space<vmem>>, %arg2: memref<128x1xf32, #tpu.memory_space<vmem>>, %arg3: memref<128x1xf32, #tpu.memory_space<vmem>>, %arg4: memref<128x1xf32, #tpu.memory_space<vmem>>, %arg5: memref<128x1xf32, #tpu.memory_space<vmem>>, %arg6: memref<1x128x125xf32, #tpu.memory_space<vmem>>) attributes {dimension_semantics = [#tpu.dimension_semantics<arbitrary>], iteration_bounds = array<i64: 128>, scalar_prefetch = 0 : i64, scratch_operands = 0 : i64, tpu.core_type = #tpu.core_type<tc>, window_params = [{transform_indices = @transform_0, window_bounds = array<i64: 1, 128, 125>}, {pipeline_mode = #tpu.pipeline_mode<synchronous>, transform_indices = @transform_1, window_bounds = array<i64: 128, 1>}, {pipeline_mode = #tpu.pipeline_mode<synchronous>, transform_indices = @transform_2, window_bounds = array<i64: 128, 1>}, {pipeline_mode = #tpu.pipeline_mode<synchronous>, transform_indices = @transform_3, window_bounds = array<i64: 128, 1>}, {pipeline_mode = #tpu.pipeline_mode<synchronous>, transform_indices = @transform_4, window_bounds = array<i64: 128, 1>}, {transform_indices = @transform_5, window_bounds = array<i64: 1, 128, 125>}]} {
    %get3A = arith.constant 0 : index
    %get3A_0 = arith.constant 0 : index
    %get3A_1 = vector.load %arg2[%get3A, %get3A_0] : memref<128x1xf32, #tpu.memory_space<vmem>>, vector<128x1xf32>
    %div3A = arith.constant 1.600000e+04 : f32
    %div3A_2 = vector.broadcast %div3A : f32 to vector<128x1xf32>
    %div3A_3 = arith.divf %get3A_1, %div3A_2 : vector<128x1xf32>
    %get3A_4 = arith.constant 0 : index
    %get3A_5 = arith.constant 0 : index
    %get3A_6 = vector.load %arg3[%get3A_4, %get3A_5] : memref<128x1xf32, #tpu.memory_space<vmem>>, vector<128x1xf32>
    %div3A_7 = arith.constant 1.600000e+04 : f32
    %div3A_8 = vector.broadcast %div3A_7 : f32 to vector<128x1xf32>
    %div3A_9 = arith.divf %get3A_6, %div3A_8 : vector<128x1xf32>
    %mul3A = arith.mulf %div3A_3, %div3A_3 : vector<128x1xf32>
    %sub3A = arith.subf %div3A_9, %mul3A : vector<128x1xf32>
    %get3A_10 = arith.constant 0 : index
    %get3A_11 = arith.constant 0 : index
    %get3A_12 = vector.load %arg4[%get3A_10, %get3A_11] : memref<128x1xf32, #tpu.memory_space<vmem>>, vector<128x1xf32>
    %add3A = arith.constant 9.99999974E-6 : f32
    %add3A_13 = vector.broadcast %add3A : f32 to vector<128x1xf32>
    %add3A_14 = arith.addf %sub3A, %add3A_13 : vector<128x1xf32>
    %rsqrt3A = math.rsqrt %add3A_14 : vector<128x1xf32>
    %mul3A_15 = arith.mulf %get3A_12, %rsqrt3A : vector<128x1xf32>
    %get3A_16 = arith.constant 0 : index
    %get3A_17 = arith.constant 0 : index
    %get3A_18 = vector.load %arg5[%get3A_16, %get3A_17] : memref<128x1xf32, #tpu.memory_space<vmem>>, vector<128x1xf32>
    %mul3A_19 = arith.mulf %div3A_3, %mul3A_15 : vector<128x1xf32>
    %sub3A_20 = arith.subf %get3A_18, %mul3A_19 : vector<128x1xf32>
    %get3A_21 = arith.constant 0 : index
    %get3A_22 = arith.constant 0 : index
    %get3A_23 = arith.constant 0 : index
    %get3A_24 = vector.load %arg1[%get3A_21, %get3A_22, %get3A_23] : memref<1x128x125xf32, #tpu.memory_space<vmem>>, vector<1x128x125xf32>
    %get3A_25 = vector.shape_cast %get3A_24 : vector<1x128x125xf32> to vector<128x125xf32>
    %mul3A_26 = vector.broadcast %mul3A_15 : vector<128x1xf32> to vector<128x125xf32>
    %mul3A_27 = arith.mulf %get3A_25, %mul3A_26 : vector<128x125xf32>
    %add3A_28 = vector.broadcast %sub3A_20 : vector<128x1xf32> to vector<128x125xf32>
    %add3A_29 = arith.addf %mul3A_27, %add3A_28 : vector<128x125xf32>
    %max3A = arith.constant 0.000000e+00 : f32
    %max3A_30 = vector.broadcast %max3A : f32 to vector<128x125xf32>
    %max3A_31 = arith.maximumf %add3A_29, %max3A_30 : vector<128x125xf32>
    %swap3A = arith.constant 0 : index
    %swap3A_32 = arith.constant 0 : index
    %swap3A_33 = arith.constant 0 : index
    %swap3A_34 = vector.load %arg6[%swap3A, %swap3A_32, %swap3A_33] : memref<1x128x125xf32, #tpu.memory_space<vmem>>, vector<1x128x125xf32>
    %swap3A_35 = vector.shape_cast %swap3A_34 : vector<1x128x125xf32> to vector<128x125xf32>
    %swap3A_36 = vector.shape_cast %max3A_31 : vector<128x125xf32> to vector<1x128x125xf32>
    tpu.vector_store %arg6[%swap3A, %swap3A_32, %swap3A_33], %swap3A_36 {strides = array<i32>} : memref<1x128x125xf32, #tpu.memory_space<vmem>>, vector<1x128x125xf32>,
    return
  }
  func.func @transform_0(%arg0: i32) -> (i32, i32, i32) {
    %c0_i32 = arith.constant 0 : i32
    %c0_i32_0 = arith.constant 0 : i32
    %c0_i32_1 = arith.constant 0 : i32
    return %arg0, %c0_i32, %c0_i32_0 : i32, i32, i32
  }
  func.func @transform_1(%arg0: i32) -> (i32, i32) {
    %c0_i32 = arith.constant 0 : i32
    %c0_i32_0 = arith.constant 0 : i32
    %c0_i32_1 = arith.constant 0 : i32
    return %c0_i32, %c0_i32_0 : i32, i32
  }
  func.func @transform_2(%arg0: i32) -> (i32, i32) {
    %c0_i32 = arith.constant 0 : i32
    %c0_i32_0 = arith.constant 0 : i32
    %c0_i32_1 = arith.constant 0 : i32
    return %c0_i32, %c0_i32_0 : i32, i32
  }
  func.func @transform_3(%arg0: i32) -> (i32, i32) {
    %c0_i32 = arith.constant 0 : i32
    %c0_i32_0 = arith.constant 0 : i32
    %c0_i32_1 = arith.constant 0 : i32
    return %c0_i32, %c0_i32_0 : i32, i32
  }
  func.func @transform_4(%arg0: i32) -> (i32, i32) {
    %c0_i32 = arith.constant 0 : i32
    %c0_i32_0 = arith.constant 0 : i32
    %c0_i32_1 = arith.constant 0 : i32
    return %c0_i32, %c0_i32_0 : i32, i32
  }
  func.func @transform_5(%arg0: i32) -> (i32, i32, i32) {
    %c0_i32 = arith.constant 0 : i32
    %c0_i32_0 = arith.constant 0 : i32
    %c0_i32_1 = arith.constant 0 : i32
    return %arg0, %c0_i32, %c0_i32_0 : i32, i32, i32
  }
}

</mosaic_0001>

<sc_bundles>
// kernel: kernel.6.cloned.1.call-start
scs
__scs_entry_jumppad:
0x0: {  	(pc) =	sbr.rel $0x88, $3  }
0x1: {  	(tag) =	ssettag $0x0;
	lr =	simm.s32 $0x1  }
0x2: {  	[smem:$0x3F9B] =	sst lr;
	_ =	strace $0xD0000000  }
0x3: {  	_ = 	snop  }
0x4: {  	_ = 	snop  }
0x5: {  	_ = 	snop  }
0x6: {  	_ = 	snop  }
0x7: {  	_ = 	snop  }
__scs_overlays_trampoline_lowered:
0x8: {  	[smem:$0x3FAA] =	sst s0  }
0x9: {  	[smem:$0x3FAB] =	sst s1  }
0xa: {  	[smem:$0x3FAC] =	sst s2  }
0xb: {  	[smem:$0x3FAD] =	sst s3  }
0xc: {  	[smem:$0x3FAE] =	sst s4  }
0xd: {  	[smem:$0x3FAF] =	sst s5  }
0xe: {  	[smem:$0x3FB0] =	sst s6  }
0xf: {  	[smem:$0x3FB1] =	sst s7  }
0x10: {  	[smem:$0x3FB2] =	sst s8  }
0x11: {  	[smem:$0x3FB3] =	sst s9;
	s0 =	simm.s32 @!p0 $0x0  }
0x12: {  	s1 =	sld [smem:$0x3F99];
	s0 =	simm.s32 @p0 $0x1  }
0x13: {  	[smem:$0x3FB4] =	sst s0;
	s0 =	simm.s32 @!p1 $0x0  }
0x14: {  	s2 =	sld [smem:$0x3F98];
	s0 =	simm.s32 @p1 $0x1  }
0x15: {  	[smem:$0x3FB5] =	sst s0;
	s0 =	simm.s32 @!p2 $0x0  }
0x16: {  	s3 =	sld [smem:$0x3FDB];
	s0 =	simm.s32 @p2 $0x1  }
0x17: {  	s4 =	simm.s32 $0x1BF5;
	[smem:$0x3FB7] =	sst s0  }
0x18: {  	s0 =	sld [smem:$0x3F9A];
	_ =	swait.ge [sflag:s4], $0x0  }
0x19: {  	s7 =	sld [smem:$0x3F9B]  }
0x1a: {  	s8 =	sadd.s32 $0xFFFFE003, lr  }
0x1b: {  	s9 =	sadd.s32 $0xFFFFFEF7, lr;
	s5 =	simm.s32 $0xFFFFFFFF;
	p2 =	slt.u32 s8, $0xFFFFF086  }
0x1c: {  	p1 =	slt.u32 s9, $0xF7A;
	s5 =	simm.s32 @!p2 $0x0  }
0x1d: {  	s5 =	simm.s32 @p1 $0x1;
	p0 =	seq.s32 s7, s2  }
0x1e: {  	s7 =	smul.u32 @!p0 $0xF7A, s2;
	p2 =	seq.s32 @!p0 s5, $0x0  }
0x1f: {  	s9 =	smul.u32 $0xF7A, s1;
	s8 =	simm.s32 @!p0 $0x1BF5;
	p2 =	por !p2, p0  }
0x20: {  	[sflag:s8] =	ssyncset.s32 @!p0 $0xFFFFF086;
	s6 =	sadd.s32 @!p0 s3, s7;
	s7 =	simm.s32 @!p0 $0x108  }
0x21: {  	s3 =	sadd.s32 s3, s9;
	s6 =	sadd.s32 @!p0 $0x88, s6;
	s7 =	simm.s32 @p2 $0x1082  }
0x22: {  	[simem:s7], [sflag:s8] =	dma.local @!p0 [hbm:s6], $0xF7A  }
0x23: {  	s9 =	sor.u32 $0xD0000000, s2;
	s6 =	simm.s32 $0x108;
	_ =	swait.ge @!p0 [sflag:s8], $0x0  }
0x24: {  	s3 =	sadd.s32 $0x88, s3;
	s6 =	simm.s32 @!p1 $0x1082;
	[sflag:s4] =	ssyncset.s32 $0xFFFFF086  }
0x25: {  	[simem:s6], [sflag:s4] =	dma.local [hbm:s3], $0xF7A  }
0x26: {  	[smem:$0x3F9B] =	sst s1;
	(tag) =	ssettag s2;
	_ =	strace s9  }
0x27: {  	s1 =	sld [smem:$0x3FAB]  }
0x28: {  	s2 =	sld [smem:$0x3FAC]  }
0x29: {  	s4 =	sld [smem:$0x3FAE]  }
0x2a: {  	p0 =	seq.s32 s5, $0x0;
	s5 =	sld [smem:$0x3FAF]  }
0x2b: {  	s6 =	sld [smem:$0x3FB0]  }
0x2c: {  	s7 =	sld [smem:$0x3FB1]  }
0x2d: {  	s3 =	simm.s32 $0x108;
	s8 =	sld [smem:$0x3FB2]  }
0x2e: {  	s3 =	simm.s32 @!p0 $0x1082;
	s9 =	sld [smem:$0x3FB3]  }
0x2f: {  	lr =	sadd.s32 s0, s3;
	s0 =	sld [smem:$0x3FAA]  }
0x30: {  	s3 =	sld [smem:$0x3FAD]  }
0x31: {  	[smem:$0x3FB6] =	sst s10  }
0x32: {  	s10 =	sld [smem:$0x3FB4];
	_ =	sdelay $0x3  }
0x33: {  	p0 =	seq.s32 s10, $0x1;
	s10 =	sld [smem:$0x3FB6];
	_ =	sdelay $0x3  }
0x34: {  	[smem:$0x3FB6] =	sst s10  }
0x35: {  	s10 =	sld [smem:$0x3FB5];
	_ =	sdelay $0x3  }
0x36: {  	p1 =	seq.s32 s10, $0x1;
	s10 =	sld [smem:$0x3FB6];
	_ =	sdelay $0x3  }
0x37: {  	[smem:$0x3FB6] =	sst s10  }
0x38: {  	s10 =	sld [smem:$0x3FB7]  }
0x39: {  	_ = 	snop;
	(pc) =	sbr.ind lr, $3  }
0x3a: {  	_ = 	snop  }
0x3b: {  	_ = 	snop  }
0x3c: {  	p2 =	seq.s32 s10, $0x1;
	s10 =	sld [smem:$0x3FB6]  }
0x3d: {  	_ =	shalt  }
0x3e: {  	_ =	shalt  }
0x3f: {  	_ =	shalt  }
0x40: {  	_ =	shalt  }
0x41: {  	_ =	shalt  }
0x42: {  	_ =	shalt  }
0x43: {  	_ =	shalt  }
0x44: {  	_ =	shalt  }
0x45: {  	_ =	shalt  }
0x46: {  	_ =	shalt  }
0x47: {  	_ =	shalt  }
0x48: {  	_ =	shalt  }
0x49: {  	_ =	shalt  }
0x4a: {  	_ =	shalt  }
0x4b: {  	_ =	shalt  }
0x4c: {  	_ =	shalt  }
0x4d: {  	_ =	shalt  }
0x4e: {  	_ =	shalt  }
0x4f: {  	_ =	shalt  }
0x50: {  	_ =	shalt  }
0x51: {  	_ =	shalt  }
0x52: {  	_ =	shalt  }
0x53: {  	_ =	shalt  }
0x54: {  	_ =	shalt  }
0x55: {  	_ =	shalt  }
0x56: {  	_ =	shalt  }
0x57: {  	_ =	shalt  }
0x58: {  	_ =	shalt  }
0x59: {  	_ =	shalt  }
0x5a: {  	_ =	shalt  }
0x5b: {  	_ =	shalt  }
0x5c: {  	_ =	shalt  }
0x5d: {  	_ =	shalt  }
0x5e: {  	_ =	shalt  }
0x5f: {  	_ =	shalt  }
0x60: {  	_ =	shalt  }
0x61: {  	_ =	shalt  }
0x62: {  	_ =	shalt  }
0x63: {  	_ =	shalt  }
0x64: {  	_ =	shalt  }
0x65: {  	_ =	shalt  }
0x66: {  	_ =	shalt  }
0x67: {  	_ =	shalt  }
0x68: {  	_ =	shalt  }
0x69: {  	_ =	shalt  }
0x6a: {  	_ =	shalt  }
0x6b: {  	_ =	shalt  }
0x6c: {  	_ =	shalt  }
0x6d: {  	_ =	shalt  }
0x6e: {  	_ =	shalt  }
0x6f: {  	_ =	shalt  }
0x70: {  	_ =	shalt  }
0x71: {  	_ =	shalt  }
0x72: {  	_ =	shalt  }
0x73: {  	_ =	shalt  }
0x74: {  	_ =	shalt  }
0x75: {  	_ =	shalt  }
0x76: {  	_ =	shalt  }
0x77: {  	_ =	shalt  }
0x78: {  	_ =	shalt  }
0x79: {  	_ =	shalt  }
0x7a: {  	_ =	shalt  }
0x7b: {  	_ =	shalt  }
0x7c: {  	_ =	shalt  }
0x7d: {  	_ =	shalt  }
0x7e: {  	_ =	shalt  }
0x7f: {  	_ =	shalt  }
0x80: {  	_ =	shalt  }
0x81: {  	_ =	shalt  }
0x82: {  	_ =	shalt  }
0x83: {  	_ =	shalt  }
0x84: {  	_ =	shalt  }
0x85: {  	_ =	shalt  }
0x86: {  	_ =	shalt  }
0x87: {  	_ =	shalt  }
.Lfunc_end0:
.L_simem_size_0:
called_computation_lowered:
.L_overlay_start_0:
0x88: {  	s2 =	sld [smem:$0x3FD9]  }
0x89: {  	s3 =	sld [smem:$0x3FFE];
	_ =	sdelay $0x1  }
0x8a: {  	s1 =	srdreg.scid  }
0x8b: {  	s0 =	sand.u32 $0x1, s1  }
0x8c: {  	s17 =	sshll.u32 s0, $0xA;
	s2 =	sadd.s32 s3, s2  }
0x8d: {  	s2 =	sadd.s32 s2, s17  }
0x8e: {  	[smem:$0x3FC2] =	sst s2  }
0x8f: {  	_ = 	snop  }
0x90: {  	s2 =	sld [smem:$0x3FD0];
	(tm) =	ssettm $0x1  }
0x91: {  	s18 =	sld [smem:$0x3FFB];
	_ =	sdelay $0x3  }
0x92: {  	_ =	strace s18  }
0x93: {  	s3 =	sld [smem:$0x3FFC];
	_ =	sdelay $0x3  }
0x94: {  	_ =	strace s3  }
0x95: {  	s3 =	sld [smem:$0x3FFD];
	_ =	sdelay $0x3  }
0x96: {  	_ =	strace s3  }
0x97: {  	_ =	strace $0x8FFFFFFF  }
0x98: {  	s19 =	sld [smem:$0x3FDB];
	_ =	sdelay $0x1  }
0x99: {  	s4 =	simm.s32 $_scs_section_size  }
0x9a: {  	s5 =	simm.s32 $_size__tile_overlayer_lowered;
	s6 =	simm.s32 $_tile_overlayer_lowered  }
0x9b: {  	s22 =	simm.s32 $0x1BFF;
	s21 =	sshll.u32 s6, $0x1;
	s3 =	sadd.s32 s4, s19  }
0x9c: {  	s7 =	simm.s32 $0x0;
	s20 =	sshll.u32 s5, $0x1;
	s5 =	sadd.s32 s21, s3  }
0x9d: {  	[timem:s7], [sflag:s22] =	dma.local [hbm:s5], s20  }
0x9e: {  	_ =	swait.ge [sflag:s22], s20  }
0x9f: {  	s4 =	ssub.s32 $0x0, s20;
	[sflag:s22] =	ssyncset.done $0x0  }
0xa0: {  	[sflag:s22] =	ssyncadd.s32 s4;
	_ =	sdelay $0x1  }
0xa1: {  	s23 =	simm.s32 $0x1B8B  }
0xa2: {  	_ =	swait.ge [sflag:s23], $0x1  }
0xa3: {  	[sflag:s23] =	ssyncset.done $0x0  }
0xa4: {  	s25 =	simm.s32 $0x1B8E;
	s24 =	sld [smem:$0x3FFE];
	[sflag:s23] =	ssyncadd.s32 $0xFFFFFFFF  }
0xa5: {  	s26 =	simm.s32 $execute0_lowered;
	[smem:$0x3FD2] =	sst s25  }
0xa6: {  	s5 =	sshll.u32 s26, $0x1;
	_ =	strace $0x80000046;
	[dreg:$0x1] =	wrdreg $0xFFFFFFFF  }
0xa7: {  	s28 =	simm.s32 $_size_execute0_lowered;
	s3 =	sadd.s32 s3, s5;
	[dreg:$0x0] =	wrdreg $0x0  }
0xa8: {  	s5 =	sshll.u32 s28, $0x1;
	[dreg:$0x2] =	wrdreg s3  }
0xa9: {  	[dreg:$0x3] =	wrdreg s5  }
0xaa: {  	[dreg:$0x4] =	wrdreg $0xC0  }
0xab: {  	_ =	task [dreg:s7], $0x5FFFF  }
0xac: {  	[dreg:$0x1] =	wrdreg $0xFFFFFFFF  }
0xad: {  	[dreg:$0x0] =	wrdreg $0x60  }
0xae: {  	[dreg:$0x2] =	wrdreg s24  }
0xaf: {  	[dreg:$0x3] =	wrdreg s2  }
0xb0: {  	[dreg:$0x4] =	wrdreg $0x9  }
0xb1: {  	_ =	task.clear_ibuf [dreg:s7], $0x5FFFF;
	_ =	strace $0x90000046  }
0xb2: {  	s29 =	simm.s32 $0x9;
	_ =	strace $0x80000048  }
0xb3: {  	_ =	swait.ge [sflag:s29], $0x1  }
0xb4: {  	[sflag:s29] =	ssyncadd.s32 $0xFFFFFFFF  }
0xb5: {  	_ =	strace $0x90000048  }
0xb6: {  	_ =	sfence  }
0xb7: {  	s30 =	sld [smem:$0x0];
	_ =	sdelay $0x2  }
0xb8: {  	s31 =	sshll.u32 s1, $0xD;
	s1 =	sshrl.u32 s1, $0x2  }
0xb9: {  	s3 =	sand.u32 $0x4000, s31;
	s1 =	sadd.s32 s1, s30  }
0xba: {  	s0 =	sor.u32 s3, s0;
	s1 =	sshll.u32 s1, $0x11  }
0xbb: {  	s0 =	sor.u32 s1, s0  }
0xbc: {  	s0 =	sadd.s32 $0x8F2B, s0  }
0xbd: {  	[sflag:s0] =	ssyncadd.remote.s32 $0x1  }
0xbe: {  	_ =	sfence.sel $0xFFFF  }
0xbf: {  	[dreg:$0x0] =	wrdreg $0xFFFFFFFF;
	(pc) =	sbr.abs _section_cstart, $3  }
0xc0: {  	[dreg:$0x1] =	wrdreg $0xFFFFFFFF  }
0xc1: {  	_ =	task.clear_ibuf [dreg:s7], $0x2FFFF;
	_ =	strace $0x9FFFFFFF  }
0xc2: {  	(tm) =	ssettm $0x7FFFFFFF  }
0xc3: {  	_ =	shalt  }
tec
execute0_lowered:
.L_overlay_start_1:
0x0: {  	(tag) =	ssettag $0x1  }
0x1: {  	s1 =	srdreg.scid  }
0x2: {  	s12 =	rddreg [dreg:$0x0];
	s0 =	stileid.u32;
	s18 =	sand.u32 $0x1, s1  }
0x3: {  	s2 =	rddreg [dreg:$0x1];
	s4 =	sshll.u32 s0, $0x3;
	s5 =	sshll.u32 s18, $0x2  }
0x4: {  	s3 =	simm.s32 $0x0;
	s1 =	rddreg [dreg:$0x2];
	s19 =	sor.u32 s5, s4  }
0x5: {  	[smem:$0x7FF] =	sst s3;
	s17 =	sadd.s32 $0x800, s12;
	s4 =	sshll.u32 s19, $0x6  }
0x6: {  	_ =	strace $0x80000047;
	s5 =	sadd.s32 s17, s4;
	s4 =	simm.s32 $0x2  }
0x7: {  	[tilespmem:s3], [sflag:$0x2] =	stream.linear.gather [hbm4b:s5+s3], $0x180, $0x38;
	[tilespmem:$0xC200] =	vst v63  }
0x8: {  	_ =	swait.ge [sflag:s4], $0x180  }
0x9: {  	[sflag:s4] =	ssyncset.done $0x0  }
0xa: {  	s6 =	simm.s32 $0x80;
	s7 =	simm.s32 $0x200;
	[sflag:s4] =	ssyncadd.s32 $0xFFFFFE80  }
0xb: {  	[tilespmem:s7], [sflag:$0x1] =	stream.indirect.gather [hbm4b:s2+s6], $0x80, s3, s6, $0xb8;
	[tilespmem:$0xC200] =	vst v63  }
0xc: {  	s8 =	simm.s32 $0x4200  }
0xd: {  	[tilespmem:s8], [sflag:$0x1] =	stream.indirect.gather [hbm4b:s2+s6], $0x80, s6, s6, $0xb8;
	[tilespmem:$0xC200] =	vst v63  }
0xe: {  	s9 =	simm.s32 $0x100;
	s10 =	simm.s32 $0x8200;
	s11 =	simm.s32 $0x1  }
0xf: {  	[tilespmem:s10], [sflag:$0x1] =	stream.indirect.gather [hbm4b:s2+s6], $0x80, s9, s6, $0xb8;
	[tilespmem:$0xC200] =	vst v63  }
0x10: {  	_ =	swait.ge [sflag:s11], $0x4000  }
0x11: {  	[sflag:s11] =	ssyncset.done $0x0  }
0x12: {  	[sflag:s11] =	ssyncadd.s32 $0xFFFFC000  }
0x13: {  	_ =	swait.ge [sflag:s11], $0x4000  }
0x14: {  	[sflag:s11] =	ssyncset.done $0x0  }
0x15: {  	[sflag:s11] =	ssyncadd.s32 $0xFFFFC000  }
0x16: {  	s13 =	smul.u32 $0x1800, s19;
	_ =	swait.ge [sflag:s11], $0x4000  }
0x17: {  	s20 =	sadd.s32 $0x2800, s12;
	[sflag:s11] =	ssyncset.done $0x0  }
0x18: {  	s12 =	sadd.s32 s20, s13;
	[sflag:s11] =	ssyncadd.s32 $0xFFFFC000  }
0x19: {  	[hbm4b:s12+s3] =	stream.linear.scatter [tilespmem:s7], [sflag:$0x2], $0xC000, $0x38;
	[tilespmem:$0xC200] =	vst v63  }
0x1a: {  	s14 =	sor.u32 $0x1, s19;
	_ =	swait.ge [sflag:s4], $0xC000  }
0x1b: {  	s29 =	sshll.u32 s14, $0x6;
	[sflag:s4] =	ssyncset.done $0x0  }
0x1c: {  	s13 =	sadd.s32 s17, s29;
	[sflag:s4] =	ssyncadd.s32 $0xFFFF4000  }
0x1d: {  	[tilespmem:s3], [sflag:$0x2] =	stream.linear.gather [hbm4b:s13+s3], $0x180, $0x38;
	[tilespmem:$0xC200] =	vst v63  }
0x1e: {  	_ =	swait.ge [sflag:s4], $0x180  }
0x1f: {  	[sflag:s4] =	ssyncset.done $0x0  }
0x20: {  	[sflag:s4] =	ssyncadd.s32 $0xFFFFFE80  }
0x21: {  	[tilespmem:s7], [sflag:$0x1] =	stream.indirect.gather [hbm4b:s2+s6], $0x80, s3, s6, $0xb8;
	[tilespmem:$0xC200] =	vst v63  }
0x22: {  	_ = 	snop  }
0x23: {  	[tilespmem:s8], [sflag:$0x1] =	stream.indirect.gather [hbm4b:s2+s6], $0x80, s6, s6, $0xb8;
	[tilespmem:$0xC200] =	vst v63  }
0x24: {  	_ = 	snop  }
0x25: {  	[tilespmem:s10], [sflag:$0x1] =	stream.indirect.gather [hbm4b:s2+s6], $0x80, s9, s6, $0xb8;
	[tilespmem:$0xC200] =	vst v63  }
0x26: {  	_ =	swait.ge [sflag:s11], $0x4000  }
0x27: {  	[sflag:s11] =	ssyncset.done $0x0  }
0x28: {  	[sflag:s11] =	ssyncadd.s32 $0xFFFFC000  }
0x29: {  	_ =	swait.ge [sflag:s11], $0x4000  }
0x2a: {  	[sflag:s11] =	ssyncset.done $0x0  }
0x2b: {  	[sflag:s11] =	ssyncadd.s32 $0xFFFFC000  }
0x2c: {  	s14 =	smul.u32 $0x1800, s14;
	_ =	swait.ge [sflag:s11], $0x4000  }
0x2d: {  	[sflag:s11] =	ssyncset.done $0x0  }
0x2e: {  	s14 =	sadd.s32 s20, s14;
	[sflag:s11] =	ssyncadd.s32 $0xFFFFC000  }
0x2f: {  	[hbm4b:s14+s3] =	stream.linear.scatter [tilespmem:s7], [sflag:$0x2], $0xC000, $0x38;
	[tilespmem:$0xC200] =	vst v63  }
0x30: {  	s16 =	sor.u32 $0x2, s19;
	_ =	swait.ge [sflag:s4], $0xC000  }
0x31: {  	s15 =	sshll.u32 s16, $0x6;
	[sflag:s4] =	ssyncset.done $0x0  }
0x32: {  	s15 =	sadd.s32 s17, s15;
	[sflag:s4] =	ssyncadd.s32 $0xFFFF4000  }
0x33: {  	[tilespmem:s3], [sflag:$0x2] =	stream.linear.gather [hbm4b:s15+s3], $0x180, $0x38;
	[tilespmem:$0xC200] =	vst v63  }
0x34: {  	_ =	swait.ge [sflag:s4], $0x180  }
0x35: {  	[sflag:s4] =	ssyncset.done $0x0  }
0x36: {  	[sflag:s4] =	ssyncadd.s32 $0xFFFFFE80  }
0x37: {  	[tilespmem:s7], [sflag:$0x1] =	stream.indirect.gather [hbm4b:s2+s6], $0x80, s3, s6, $0xb8;
	[tilespmem:$0xC200] =	vst v63  }
0x38: {  	_ = 	snop  }
0x39: {  	[tilespmem:s8], [sflag:$0x1] =	stream.indirect.gather [hbm4b:s2+s6], $0x80, s6, s6, $0xb8;
	[tilespmem:$0xC200] =	vst v63  }
0x3a: {  	_ = 	snop  }
0x3b: {  	[tilespmem:s10], [sflag:$0x1] =	stream.indirect.gather [hbm4b:s2+s6], $0x80, s9, s6, $0xb8;
	[tilespmem:$0xC200] =	vst v63  }
0x3c: {  	_ =	swait.ge [sflag:s11], $0x4000  }
0x3d: {  	[sflag:s11] =	ssyncset.done $0x0  }
0x3e: {  	[sflag:s11] =	ssyncadd.s32 $0xFFFFC000  }
0x3f: {  	_ =	swait.ge [sflag:s11], $0x4000  }
0x40: {  	[sflag:s11] =	ssyncset.done $0x0  }
0x41: {  	[sflag:s11] =	ssyncadd.s32 $0xFFFFC000  }
0x42: {  	s16 =	smul.u32 $0x1800, s16;
	_ =	swait.ge [sflag:s11], $0x4000  }
0x43: {  	[sflag:s11] =	ssyncset.done $0x0  }
0x44: {  	s16 =	sadd.s32 s20, s16;
	[sflag:s11] =	ssyncadd.s32 $0xFFFFC000  }
0x45: {  	[hbm4b:s16+s3] =	stream.linear.scatter [tilespmem:s7], [sflag:$0x2], $0xC000, $0x38;
	[tilespmem:$0xC200] =	vst v63  }
0x46: {  	s19 =	sor.u32 $0x3, s19;
	_ =	swait.ge [sflag:s4], $0xC000  }
0x47: {  	s21 =	sshll.u32 s19, $0x6;
	[sflag:s4] =	ssyncset.done $0x0  }
0x48: {  	s17 =	sadd.s32 s17, s21;
	[sflag:s4] =	ssyncadd.s32 $0xFFFF4000  }
0x49: {  	[tilespmem:s3], [sflag:$0x2] =	stream.linear.gather [hbm4b:s17+s3], $0x180, $0x38;
	[tilespmem:$0xC200] =	vst v63  }
0x4a: {  	_ =	swait.ge [sflag:s4], $0x180  }
0x4b: {  	[sflag:s4] =	ssyncset.done $0x0  }
0x4c: {  	[sflag:s4] =	ssyncadd.s32 $0xFFFFFE80  }
0x4d: {  	[tilespmem:s7], [sflag:$0x1] =	stream.indirect.gather [hbm4b:s2+s6], $0x80, s3, s6, $0xb8;
	[tilespmem:$0xC200] =	vst v63  }
0x4e: {  	_ = 	snop  }
0x4f: {  	[tilespmem:s8], [sflag:$0x1] =	stream.indirect.gather [hbm4b:s2+s6], $0x80, s6, s6, $0xb8;
	[tilespmem:$0xC200] =	vst v63  }
0x50: {  	_ = 	snop  }
0x51: {  	[tilespmem:s10], [sflag:$0x1] =	stream.indirect.gather [hbm4b:s2+s6], $0x80, s9, s6, $0xb8;
	[tilespmem:$0xC200] =	vst v63  }
0x52: {  	_ =	swait.ge [sflag:s11], $0x4000  }
0x53: {  	[sflag:s11] =	ssyncset.done $0x0  }
0x54: {  	s18 =	ssub.s32 $0x2, s18;
	[sflag:s11] =	ssyncadd.s32 $0xFFFFC000  }
0x55: {  	s30 =	sshrl.u32 s18, $0x1;
	_ =	swait.ge [sflag:s11], $0x4000  }
0x56: {  	s21 =	ssub.s32 s18, s30;
	[sflag:s11] =	ssyncset.done $0x0  }
0x57: {  	s31 =	smax.u32 s21, $0x1;
	[sflag:s11] =	ssyncadd.s32 $0xFFFFC000  }
0x58: {  	s19 =	smul.u32 $0x1800, s19;
	p0 =	sne.s32 s31, $0x1;
	_ =	swait.ge [sflag:s11], $0x4000  }
.Ltmp0:
0x59: {  	[sflag:s11] =	ssyncset.done $0x0;
	(pc) =	sbr.rel @!p0 .LBB2_2-.Ltmp0, $4  }
0x5a: {  	s18 =	sadd.s32 s20, s19;
	[sflag:s11] =	ssyncadd.s32 $0xFFFFC000  }
0x5b: {  	[hbm4b:s18+s3] =	stream.linear.scatter [tilespmem:s7], [sflag:$0x2], $0xC000, $0x38;
	[tilespmem:$0xC200] =	vst v63  }
0x5c: {  	_ =	swait.ge [sflag:s4], $0xC000  }
0x5d: {  	s19 =	sadd.s32 $0xFFFFFFFF, s31;
	[sflag:s4] =	ssyncset.done $0x0  }
.LBB2_1:
0x5e: {  	p0 =	sne.s32 s19, $0x1;
	s19 =	sadd.s32 $0xFFFFFFFF, s19;
	[sflag:s4] =	ssyncadd.s32 $0xFFFF4000  }
0x5f: {  	[tilespmem:s3], [sflag:$0x2] =	stream.linear.gather [hbm4b:s5+s3], $0x180, $0x38;
	[tilespmem:$0xC200] =	vst v63  }
0x60: {  	_ =	swait.ge [sflag:s4], $0x180  }
0x61: {  	[sflag:s4] =	ssyncset.done $0x0  }
0x62: {  	[sflag:s4] =	ssyncadd.s32 $0xFFFFFE80  }
0x63: {  	[tilespmem:s7], [sflag:$0x1] =	stream.indirect.gather [hbm4b:s2+s6], $0x80, s3, s6, $0xb8;
	[tilespmem:$0xC200] =	vst v63  }
0x64: {  	_ = 	snop  }
0x65: {  	[tilespmem:s8], [sflag:$0x1] =	stream.indirect.gather [hbm4b:s2+s6], $0x80, s6, s6, $0xb8;
	[tilespmem:$0xC200] =	vst v63  }
0x66: {  	_ = 	snop  }
0x67: {  	[tilespmem:s10], [sflag:$0x1] =	stream.indirect.gather [hbm4b:s2+s6], $0x80, s9, s6, $0xb8;
	[tilespmem:$0xC200] =	vst v63  }
0x68: {  	_ =	swait.ge [sflag:s11], $0x4000  }
0x69: {  	[sflag:s11] =	ssyncset.done $0x0  }
0x6a: {  	[sflag:s11] =	ssyncadd.s32 $0xFFFFC000  }
0x6b: {  	_ =	swait.ge [sflag:s11], $0x4000  }
0x6c: {  	[sflag:s11] =	ssyncset.done $0x0  }
0x6d: {  	[sflag:s11] =	ssyncadd.s32 $0xFFFFC000  }
0x6e: {  	_ =	swait.ge [sflag:s11], $0x4000  }
0x6f: {  	[sflag:s11] =	ssyncset.done $0x0  }
0x70: {  	[sflag:s11] =	ssyncadd.s32 $0xFFFFC000  }
0x71: {  	[hbm4b:s12+s3] =	stream.linear.scatter [tilespmem:s7], [sflag:$0x2], $0xC000, $0x38;
	[tilespmem:$0xC200] =	vst v63  }
0x72: {  	_ =	swait.ge [sflag:s4], $0xC000  }
0x73: {  	[sflag:s4] =	ssyncset.done $0x0  }
0x74: {  	[sflag:s4] =	ssyncadd.s32 $0xFFFF4000  }
0x75: {  	[tilespmem:s3], [sflag:$0x2] =	stream.linear.gather [hbm4b:s13+s3], $0x180, $0x38;
	[tilespmem:$0xC200] =	vst v63  }
0x76: {  	_ =	swait.ge [sflag:s4], $0x180  }
0x77: {  	[sflag:s4] =	ssyncset.done $0x0  }
0x78: {  	[sflag:s4] =	ssyncadd.s32 $0xFFFFFE80  }
0x79: {  	[tilespmem:s7], [sflag:$0x1] =	stream.indirect.gather [hbm4b:s2+s6], $0x80, s3, s6, $0xb8;
	[tilespmem:$0xC200] =	vst v63  }
0x7a: {  	_ = 	snop  }
0x7b: {  	[tilespmem:s8], [sflag:$0x1] =	stream.indirect.gather [hbm4b:s2+s6], $0x80, s6, s6, $0xb8;
	[tilespmem:$0xC200] =	vst v63  }
0x7c: {  	_ = 	snop  }
0x7d: {  	[tilespmem:s10], [sflag:$0x1] =	stream.indirect.gather [hbm4b:s2+s6], $0x80, s9, s6, $0xb8;
	[tilespmem:$0xC200] =	vst v63  }
0x7e: {  	_ =	swait.ge [sflag:s11], $0x4000  }
0x7f: {  	[sflag:s11] =	ssyncset.done $0x0  }
0x80: {  	[sflag:s11] =	ssyncadd.s32 $0xFFFFC000  }
0x81: {  	_ =	swait.ge [sflag:s11], $0x4000  }
0x82: {  	[sflag:s11] =	ssyncset.done $0x0  }
0x83: {  	[sflag:s11] =	ssyncadd.s32 $0xFFFFC000  }
0x84: {  	_ =	swait.ge [sflag:s11], $0x4000  }
0x85: {  	[sflag:s11] =	ssyncset.done $0x0  }
0x86: {  	[sflag:s11] =	ssyncadd.s32 $0xFFFFC000  }
0x87: {  	[hbm4b:s14+s3] =	stream.linear.scatter [tilespmem:s7], [sflag:$0x2], $0xC000, $0x38;
	[tilespmem:$0xC200] =	vst v63  }
0x88: {  	_ =	swait.ge [sflag:s4], $0xC000  }
0x89: {  	[sflag:s4] =	ssyncset.done $0x0  }
0x8a: {  	[sflag:s4] =	ssyncadd.s32 $0xFFFF4000  }
0x8b: {  	[tilespmem:s3], [sflag:$0x2] =	stream.linear.gather [hbm4b:s15+s3], $0x180, $0x38;
	[tilespmem:$0xC200] =	vst v63  }
0x8c: {  	_ =	swait.ge [sflag:s4], $0x180  }
0x8d: {  	[sflag:s4] =	ssyncset.done $0x0  }
0x8e: {  	[sflag:s4] =	ssyncadd.s32 $0xFFFFFE80  }
0x8f: {  	[tilespmem:s7], [sflag:$0x1] =	stream.indirect.gather [hbm4b:s2+s6], $0x80, s3, s6, $0xb8;
	[tilespmem:$0xC200] =	vst v63  }
0x90: {  	_ = 	snop  }
0x91: {  	[tilespmem:s8], [sflag:$0x1] =	stream.indirect.gather [hbm4b:s2+s6], $0x80, s6, s6, $0xb8;
	[tilespmem:$0xC200] =	vst v63  }
0x92: {  	_ = 	snop  }
0x93: {  	[tilespmem:s10], [sflag:$0x1] =	stream.indirect.gather [hbm4b:s2+s6], $0x80, s9, s6, $0xb8;
	[tilespmem:$0xC200] =	vst v63  }
0x94: {  	_ =	swait.ge [sflag:s11], $0x4000  }
0x95: {  	[sflag:s11] =	ssyncset.done $0x0  }
0x96: {  	[sflag:s11] =	ssyncadd.s32 $0xFFFFC000  }
0x97: {  	_ =	swait.ge [sflag:s11], $0x4000  }
0x98: {  	[sflag:s11] =	ssyncset.done $0x0  }
0x99: {  	[sflag:s11] =	ssyncadd.s32 $0xFFFFC000  }
0x9a: {  	_ =	swait.ge [sflag:s11], $0x4000  }
0x9b: {  	[sflag:s11] =	ssyncset.done $0x0  }
0x9c: {  	[sflag:s11] =	ssyncadd.s32 $0xFFFFC000  }
0x9d: {  	[hbm4b:s16+s3] =	stream.linear.scatter [tilespmem:s7], [sflag:$0x2], $0xC000, $0x38;
	[tilespmem:$0xC200] =	vst v63  }
0x9e: {  	_ =	swait.ge [sflag:s4], $0xC000  }
0x9f: {  	[sflag:s4] =	ssyncset.done $0x0  }
0xa0: {  	[sflag:s4] =	ssyncadd.s32 $0xFFFF4000  }
0xa1: {  	[tilespmem:s3], [sflag:$0x2] =	stream.linear.gather [hbm4b:s17+s3], $0x180, $0x38;
	[tilespmem:$0xC200] =	vst v63  }
0xa2: {  	_ =	swait.ge [sflag:s4], $0x180  }
0xa3: {  	[sflag:s4] =	ssyncset.done $0x0  }
0xa4: {  	[sflag:s4] =	ssyncadd.s32 $0xFFFFFE80  }
0xa5: {  	[tilespmem:s7], [sflag:$0x1] =	stream.indirect.gather [hbm4b:s2+s6], $0x80, s3, s6, $0xb8;
	[tilespmem:$0xC200] =	vst v63  }
0xa6: {  	_ = 	snop  }
0xa7: {  	[tilespmem:s8], [sflag:$0x1] =	stream.indirect.gather [hbm4b:s2+s6], $0x80, s6, s6, $0xb8;
	[tilespmem:$0xC200] =	vst v63  }
0xa8: {  	_ = 	snop  }
0xa9: {  	[tilespmem:s10], [sflag:$0x1] =	stream.indirect.gather [hbm4b:s2+s6], $0x80, s9, s6, $0xb8;
	[tilespmem:$0xC200] =	vst v63  }
0xaa: {  	_ =	swait.ge [sflag:s11], $0x4000  }
0xab: {  	[sflag:s11] =	ssyncset.done $0x0  }
0xac: {  	[sflag:s11] =	ssyncadd.s32 $0xFFFFC000  }
0xad: {  	_ =	swait.ge [sflag:s11], $0x4000  }
0xae: {  	[sflag:s11] =	ssyncset.done $0x0  }
0xaf: {  	[sflag:s11] =	ssyncadd.s32 $0xFFFFC000  }
0xb0: {  	_ =	swait.ge [sflag:s11], $0x4000  }
.Ltmp1:
0xb1: {  	[sflag:s11] =	ssyncset.done $0x0;
	(pc) =	sbr.rel @p0 .LBB2_1-.Ltmp1, $4  }
0xb2: {  	[sflag:s11] =	ssyncadd.s32 $0xFFFFC000  }
0xb3: {  	[hbm4b:s18+s3] =	stream.linear.scatter [tilespmem:s7], [sflag:$0x2], $0xC000, $0x38;
	[tilespmem:$0xC200] =	vst v63  }
0xb4: {  	_ =	swait.ge [sflag:s4], $0xC000  }
0xb5: {  	[sflag:s4] =	ssyncset.done $0x0  }
.LBB2_2:
0xb6: {  	[sflag:s4] =	ssyncadd.s32 $0xFFFF4000  }
0xb7: {  	_ =	sfence.sel $0x180000  }
0xb8: {  	[bflag:$0x0] =	sbarrier.arrive $0xFFFF  }
0xb9: {  	p0 =	sne.s32 s0, $0x0;
	_ =	strace $0x90000047  }
0xba: {  	s0 =	sadd.s32 @!p0 $0x100000, s1;
	[bflag:$0x2] =	sbarrier.arrive $0xFFFF  }
0xbb: {  	[sflag:s0] =	ssyncadd.tile.s32 @!p0 $0x1;
	_ =	shalt  }
.Lfunc_end2:
_tile_overlayer_lowered:
.L_overlay_start_2:
0xbc: {  	(tag) =	ssettag $0x2  }
0xbd: {  	s0 =	rddreg [dreg:$0x0];
	s2 =	stileid.u32  }
0xbe: {  	s1 =	rddreg [dreg:$0x1];
	p0 =	sne.s32 s2, $0x0  }
0xbf: {  	s3 =	rddreg [dreg:$0x2];
	[bflag:$0x3] =	sbarrier.arrive $0xFFFF;
	s2 =	simm.s32 @!p0 $0x1C02  }
0xc0: {  	[timem:s3], [sflag:s2] =	dma.local @!p0 [hbm:s0], s1  }
0xc1: {  	s0 =	simm.s32 @!p0 $0x2  }
0xc2: {  	_ =	swait.ge @!p0 [sflag:s0], s1  }
0xc3: {  	s1 =	ssub.s32 @!p0 $0x0, s1;
	[sflag:s0] =	ssyncset.done @!p0 $0x0  }
0xc4: {  	[sflag:s0] =	ssyncadd.s32 @!p0 s1  }
0xc5: {  	[bflag:$0x3] =	sbarrier.arrive $0xFFFF  }
0xc6: {  	_ =	shalt  }

</sc_bundles>
